<compile_context>
chip_gen: v7x
topology: tpu7x:2x2x1
jax: 0.10.2.dev20260603
libtpu: 0.0.44.dev20260713+nightly
codegen_flags: <defaults>
</compile_context>

<pallas_src>
import numpy as np
import jax
import jax.numpy as jnp
from jax.experimental import pallas as pl
from jax.experimental.pallas import tpu as pltpu

_TIME_MASK_PARAM = 100
_FREQ_MASK_PARAM = 27
_NUM_TIME_MASKS = 2
_NUM_FREQ_MASKS = 2
_MASK_VALUE = 0.0

_T_BLK = 3000
_MASKS_PER_SAMPLE = _NUM_FREQ_MASKS + _NUM_TIME_MASKS
_STATS_COLS = 3 * _MASKS_PER_SAMPLE + 1


def _threefry2x32(k0, k1, x0, x1):
    M = 0xFFFFFFFF
    rot = ((13, 15, 26, 6), (17, 29, 16, 24))
    ks = (k0, k1, (k0 ^ k1 ^ 0x1BD11BDA) & M)
    x0 = (x0 + ks[0]) & M
    x1 = (x1 + ks[1]) & M
    for i in range(5):
        for r in rot[i % 2]:
            x0 = (x0 + x1) & M
            x1 = ((x1 << r) | (x1 >> (32 - r))) & M
            x1 ^= x0
        x0 = (x0 + ks[(i + 1) % 3]) & M
        x1 = (x1 + ks[(i + 2) % 3] + i + 1) & M
    return x0, x1


def _build_draw_table(n):
    k = (0, 42)
    tab = np.zeros((n, 4), dtype=np.int32)
    for j in range(n):
        d = _threefry2x32(k[0], k[1], 0, 1)
        p = _threefry2x32(d[0], d[1], 0, 0)
        r = _threefry2x32(d[0], d[1], 0, 1)
        ps = _threefry2x32(p[0], p[1], 0, 0)
        rs = _threefry2x32(r[0], r[1], 0, 0)
        s = ps[0] ^ ps[1]
        t = rs[0] ^ rs[1]
        tab[j] = (s >> 16, s & 0xFFFF, t >> 16, t & 0xFFFF)
        k = _threefry2x32(k[0], k[1], 0, 0)
    return tab


_TAB = _build_draw_table(2 * _MASKS_PER_SAMPLE * 64 + 8)


def _resolve_body(len_ref, tab_ref, out_ref):
    B = len_ref.shape[0]
    F = 80

    def draw(a, span):
        m16 = 65536 % span
        m32 = (m16 * m16) % span
        s_m = ((tab_ref[a, 0] % span) * m16 + (tab_ref[a, 1] % span)) % span
        t_m = ((tab_ref[a, 2] % span) * m16 + (tab_ref[a, 3] % span)) % span
        return (s_m * m32 + t_m) % span

    def body(b, a):
        L = len_ref[b]
        valid = jnp.where(L > 0, 1, 0).astype(jnp.int32)
        for i in range(_NUM_FREQ_MASKS):
            w = draw(a, min(_FREQ_MASK_PARAM, F) + 1)
            a1 = a + valid
            c = valid * jnp.where((w > 0) & (w < F), 1, 0)
            s = draw(a1, F - w + 1)
            out_ref[b, 3 * i + 0] = s
            out_ref[b, 3 * i + 1] = w
            out_ref[b, 3 * i + 2] = c
            a = a1 + c
        for i in range(_NUM_TIME_MASKS):
            w = draw(a, jnp.minimum(_TIME_MASK_PARAM, L) + 1)
            a1 = a + valid
            c = valid * jnp.where((w > 0) & (w < L), 1, 0)
            s = draw(a1, L - w + 1)
            j = 3 * (_NUM_FREQ_MASKS + i)
            out_ref[b, j + 0] = s
            out_ref[b, j + 1] = w
            out_ref[b, j + 2] = c
            a = a1 + c
        out_ref[b, _STATS_COLS - 1] = L
        return a

    jax.lax.fori_loop(0, B, body, jnp.int32(0))


_F = 80
_FOLD = 8
_ROWS = 3000 // _FOLD


def _apply_body(stats_ref, mel_ref, out_ref):
    b = pl.program_id(0)

    fs0 = stats_ref[b, 0]
    fw0 = stats_ref[b, 1]
    fc0 = stats_ref[b, 2]
    fs1 = stats_ref[b, 3]
    fw1 = stats_ref[b, 4]
    fc1 = stats_ref[b, 5]
    ts0 = stats_ref[b, 6]
    tw0 = stats_ref[b, 7]
    tc0 = stats_ref[b, 8]
    ts1 = stats_ref[b, 9]
    tw1 = stats_ref[b, 10]
    tc1 = stats_ref[b, 11]
    length = stats_ref[b, 12]

    shape = (_ROWS, _FOLD * _F)
    rr = jax.lax.broadcasted_iota(jnp.int32, shape, 0)
    jj = jax.lax.broadcasted_iota(jnp.int32, shape, 1)
    q = jnp.zeros(shape, jnp.int32)
    for k in range(1, _FOLD):
        q = q + (jj >= k * _F).astype(jnp.int32)
    tt = rr * _FOLD + q
    ff = jj - q * _F

    fmask = ((fc0 > 0) & (ff >= fs0) & (ff < fs0 + fw0)) | (
        (fc1 > 0) & (ff >= fs1) & (ff < fs1 + fw1)
    )
    fmask = fmask & (tt < length)
    tmask = ((tc0 > 0) & (tt >= ts0) & (tt < ts0 + tw0)) | (
        (tc1 > 0) & (tt >= ts1) & (tt < ts1 + tw1)
    )
    mask = fmask | tmask
    out_ref[0] = jnp.where(mask, jnp.float32(_MASK_VALUE), mel_ref[0])


def kernel(mel, lengths):
    B, T, F = mel.shape
    stats = pl.pallas_call(
        _resolve_body,
        in_specs=[
            pl.BlockSpec(memory_space=pltpu.SMEM),
            pl.BlockSpec(memory_space=pltpu.SMEM),
        ],
        out_specs=pl.BlockSpec(memory_space=pltpu.SMEM),
        out_shape=jax.ShapeDtypeStruct((B, _STATS_COLS), jnp.int32),
    )(lengths.astype(jnp.int32), jnp.asarray(_TAB))
    mel_folded = jnp.reshape(mel, (B, _ROWS, _FOLD * _F))
    out = pl.pallas_call(
        _apply_body,
        grid=(B,),
        in_specs=[
            pl.BlockSpec(memory_space=pltpu.SMEM),
            pl.BlockSpec((1, _ROWS, _FOLD * _F), lambda b: (b, 0, 0)),
        ],
        out_specs=pl.BlockSpec((1, _ROWS, _FOLD * _F), lambda b: (b, 0, 0)),
        out_shape=jax.ShapeDtypeStruct((B, _ROWS, _FOLD * _F), mel.dtype),
        compiler_params=pltpu.CompilerParams(
            dimension_semantics=("parallel",),
        ),
    )(stats, mel_folded)
    return jnp.reshape(out, (B, T, F))

# --- scband reference (transcript-rebuilt; emitter-appended) ---
"""Pipeline reference for scband-batch-spec-augment-6743098654723 (READ-ONLY COPY).

The authoritative reference and input builder live on the scoring server;
editing this copy changes nothing except your own understanding.
"""

import jax, jax.numpy as jnp
import numpy as np

TIME_MASK_PARAM = 100
FREQ_MASK_PARAM = 27
NUM_TIME_MASKS = 2
NUM_FREQ_MASKS = 2
MASK_VALUE = 0.0


def setup_inputs(seed: int = 0) -> dict:
    key = jax.random.key(seed)
    k1, k2 = jax.random.split(key)
    mel = jax.random.normal(k1, (64, 3000, 80), dtype=jnp.float32)
    lengths = jax.random.randint(k2, (64,), 0, 3000).astype(jnp.int64)
    return {"mel": mel, "lengths": lengths}


def _build_mask(lengths, B, T, F):
    """Reproduce the per-sample freq/time mask sampling of the torch module.

    Returns a boolean [B, T, F] array; True where mask_value should be written.
    Random widths/starts are drawn with a fixed jax PRNG (deterministic analog
    of torch.randint in the original forward).
    """

    def _sel_key(cond, a, b):
        return jax.random.wrap_key_data(
            jnp.where(cond, jax.random.key_data(a), jax.random.key_data(b))
        )

    def body(key, length):
        valid = length > 0
        f_starts, f_widths, f_conds = [], [], []
        for _ in range(NUM_FREQ_MASKS):
            width_max = min(FREQ_MASK_PARAM, F)
            nk, k1 = jax.random.split(key)
            key = _sel_key(valid, nk, key)
            width = jax.random.randint(k1, (), 0, width_max + 1)
            cond = valid & (width > 0) & (width < F)
            nk, k2 = jax.random.split(key)
            key = _sel_key(cond, nk, key)
            start = jax.random.randint(k2, (), 0, F - width + 1)
            f_starts.append(start)
            f_widths.append(width)
            f_conds.append(cond)
        t_starts, t_widths, t_conds = [], [], []
        for _ in range(NUM_TIME_MASKS):
            width_max = jnp.minimum(TIME_MASK_PARAM, length)
            nk, k1 = jax.random.split(key)
            key = _sel_key(valid, nk, key)
            width = jax.random.randint(k1, (), 0, width_max + 1)
            cond = valid & (width > 0) & (width < length)
            nk, k2 = jax.random.split(key)
            key = _sel_key(cond, nk, key)
            start = jax.random.randint(k2, (), 0, length - width + 1)
            t_starts.append(start)
            t_widths.append(width)
            t_conds.append(cond)
        stats = (
            jnp.stack(f_starts),
            jnp.stack(f_widths),
            jnp.stack(f_conds),
            jnp.stack(t_starts),
            jnp.stack(t_widths),
            jnp.stack(t_conds),
        )
        return key, stats

    _, (FS, FW, FC, TS, TW, TC) = jax.lax.scan(body, jax.random.key(42), lengths)

    t = jnp.arange(T)[None, :, None]
    f = jnp.arange(F)[None, None, :]
    mask = jnp.zeros((B, T, F), dtype=bool)
    for i in range(NUM_FREQ_MASKS):
        c = FC[:, i][:, None, None]
        s = FS[:, i][:, None, None]
        w = FW[:, i][:, None, None]
        m = c & (t < lengths[:, None, None]) & (f >= s) & (f < s + w)
        mask = mask | m
    for i in range(NUM_TIME_MASKS):
        c = TC[:, i][:, None, None]
        s = TS[:, i][:, None, None]
        w = TW[:, i][:, None, None]
        m = c & (t >= s) & (t < s + w)
        mask = mask | m
    return mask


def reference(mel, lengths):
    if NUM_TIME_MASKS <= 0 and NUM_FREQ_MASKS <= 0:
        return mel
    B, T, F = mel.shape
    mask = _build_mask(lengths, B, T, F)
    # out = mel.clone(); out[masked regions] = mask_value
    out = jnp.where(mask, jnp.asarray(MASK_VALUE, dtype=mel.dtype), mel)
    return out

if __name__ == "__main__":
    import jax
    _d = setup_inputs()
    print(jax.jit(kernel)(*tuple(_d.values())))

</pallas_src>

<mosaic_0001>
module attributes {stable_mosaic.version = 14 : i64} {
  func.func @_resolve_body(%arg0: memref<64xi32, #tpu.memory_space<smem>>, %arg1: memref<520x4xi32, #tpu.memory_space<smem>>, %arg2: memref<64x13xi32, #tpu.memory_space<smem>>) attributes {dimension_semantics = [], scalar_prefetch = 0 : i64, scratch_operands = 0 : i64, tpu.core_type = #tpu.core_type<tc>} {
    %scan3A = arith.constant 0 : i32
    %scan3A_0 = arith.constant 0 : i32
    %scan3A_1 = arith.constant 64 : i32
    %scan3A_2 = arith.addi %scan3A_0, %scan3A_1 : i32
    %scan3A_3 = arith.constant 1 : i32
    %scan3A_4 = scf.for %scan3A_6 = %scan3A_0 to %scan3A_2 step %scan3A_3 iter_args(%scan3A_7 = %scan3A) -> (i32)  : i32 {
      %get3A = arith.index_cast %scan3A_6 : i32 to index
      %get3A_8 = memref.load %arg0[%get3A] : memref<64xi32, #tpu.memory_space<smem>>
      %gt3A = arith.constant 0 : i32
      %gt3A_9 = arith.cmpi sgt, %get3A_8, %gt3A : i32
      %jit3A = arith.constant 1 : i32
      %jit3A_10 = arith.constant 0 : i32
      %select_n3A = arith.select %gt3A_9, %jit3A, %jit3A_10 : i32
      %get3A_11 = arith.index_cast %scan3A_7 : i32 to index
      %get3A_12 = arith.constant 0 : index
      %get3A_13 = memref.load %arg1[%get3A_11, %get3A_12] : memref<520x4xi32, #tpu.memory_space<smem>>
      %jit3A_14 = arith.constant 28 : i32
      %eq3A = arith.constant 0 : i32
      %eq3A_15 = arith.cmpi eq, %jit3A_14, %eq3A : i32
      %jit3A_16 = arith.constant 1 : i32
      %select_n3A_17 = arith.select %eq3A_15, %jit3A_16, %jit3A_14 : i32
      %rem3A = arith.remsi %get3A_13, %select_n3A_17 : i32
      %ne3A = arith.constant 0 : i32
      %ne3A_18 = arith.cmpi ne, %rem3A, %ne3A : i32
      %lt3A = arith.constant 0 : i32
      %lt3A_19 = arith.cmpi slt, %rem3A, %lt3A : i32
      %lt3A_20 = arith.constant 0 : i32
      %lt3A_21 = arith.cmpi slt, %select_n3A_17, %lt3A_20 : i32
      %ne3A_22 = arith.xori %lt3A_19, %lt3A_21 : i1
      %and3A = arith.andi %ne3A_22, %ne3A_18 : i1
      %add3A = arith.addi %rem3A, %select_n3A_17 : i32
      %select_n3A_23 = arith.select %and3A, %add3A, %rem3A : i32
      %mul3A = arith.constant 16 : i32
      %mul3A_24 = arith.muli %select_n3A_23, %mul3A : i32
      %get3A_25 = arith.index_cast %scan3A_7 : i32 to index
      %get3A_26 = arith.constant 1 : index
      %get3A_27 = memref.load %arg1[%get3A_25, %get3A_26] : memref<520x4xi32, #tpu.memory_space<smem>>
      %jit3A_28 = arith.constant 28 : i32
      %eq3A_29 = arith.constant 0 : i32
      %eq3A_30 = arith.cmpi eq, %jit3A_28, %eq3A_29 : i32
      %jit3A_31 = arith.constant 1 : i32
      %select_n3A_32 = arith.select %eq3A_30, %jit3A_31, %jit3A_28 : i32
      %rem3A_33 = arith.remsi %get3A_27, %select_n3A_32 : i32
      %ne3A_34 = arith.constant 0 : i32
      %ne3A_35 = arith.cmpi ne, %rem3A_33, %ne3A_34 : i32
      %lt3A_36 = arith.constant 0 : i32
      %lt3A_37 = arith.cmpi slt, %rem3A_33, %lt3A_36 : i32
      %lt3A_38 = arith.constant 0 : i32
      %lt3A_39 = arith.cmpi slt, %select_n3A_32, %lt3A_38 : i32
      %ne3A_40 = arith.xori %lt3A_37, %lt3A_39 : i1
      %and3A_41 = arith.andi %ne3A_40, %ne3A_35 : i1
      %add3A_42 = arith.addi %rem3A_33, %select_n3A_32 : i32
      %select_n3A_43 = arith.select %and3A_41, %add3A_42, %rem3A_33 : i32
      %add3A_44 = arith.addi %mul3A_24, %select_n3A_43 : i32
      %jit3A_45 = arith.constant 28 : i32
      %eq3A_46 = arith.constant 0 : i32
      %eq3A_47 = arith.cmpi eq, %jit3A_45, %eq3A_46 : i32
      %jit3A_48 = arith.constant 1 : i32
      %select_n3A_49 = arith.select %eq3A_47, %jit3A_48, %jit3A_45 : i32
      %rem3A_50 = arith.remsi %add3A_44, %select_n3A_49 : i32
      %ne3A_51 = arith.constant 0 : i32
      %ne3A_52 = arith.cmpi ne, %rem3A_50, %ne3A_51 : i32
      %lt3A_53 = arith.constant 0 : i32
      %lt3A_54 = arith.cmpi slt, %rem3A_50, %lt3A_53 : i32
      %lt3A_55 = arith.constant 0 : i32
      %lt3A_56 = arith.cmpi slt, %select_n3A_49, %lt3A_55 : i32
      %ne3A_57 = arith.xori %lt3A_54, %lt3A_56 : i1
      %and3A_58 = arith.andi %ne3A_57, %ne3A_52 : i1
      %add3A_59 = arith.addi %rem3A_50, %select_n3A_49 : i32
      %select_n3A_60 = arith.select %and3A_58, %add3A_59, %rem3A_50 : i32
      %get3A_61 = arith.index_cast %scan3A_7 : i32 to index
      %get3A_62 = arith.constant 2 : index
      %get3A_63 = memref.load %arg1[%get3A_61, %get3A_62] : memref<520x4xi32, #tpu.memory_space<smem>>
      %jit3A_64 = arith.constant 28 : i32
      %eq3A_65 = arith.constant 0 : i32
      %eq3A_66 = arith.cmpi eq, %jit3A_64, %eq3A_65 : i32
      %jit3A_67 = arith.constant 1 : i32
      %select_n3A_68 = arith.select %eq3A_66, %jit3A_67, %jit3A_64 : i32
      %rem3A_69 = arith.remsi %get3A_63, %select_n3A_68 : i32
      %ne3A_70 = arith.constant 0 : i32
      %ne3A_71 = arith.cmpi ne, %rem3A_69, %ne3A_70 : i32
      %lt3A_72 = arith.constant 0 : i32
      %lt3A_73 = arith.cmpi slt, %rem3A_69, %lt3A_72 : i32
      %lt3A_74 = arith.constant 0 : i32
      %lt3A_75 = arith.cmpi slt, %select_n3A_68, %lt3A_74 : i32
      %ne3A_76 = arith.xori %lt3A_73, %lt3A_75 : i1
      %and3A_77 = arith.andi %ne3A_76, %ne3A_71 : i1
      %add3A_78 = arith.addi %rem3A_69, %select_n3A_68 : i32
      %select_n3A_79 = arith.select %and3A_77, %add3A_78, %rem3A_69 : i32
      %mul3A_80 = arith.constant 16 : i32
      %mul3A_81 = arith.muli %select_n3A_79, %mul3A_80 : i32
      %get3A_82 = arith.index_cast %scan3A_7 : i32 to index
      %get3A_83 = arith.constant 3 : index
      %get3A_84 = memref.load %arg1[%get3A_82, %get3A_83] : memref<520x4xi32, #tpu.memory_space<smem>>
      %jit3A_85 = arith.constant 28 : i32
      %eq3A_86 = arith.constant 0 : i32
      %eq3A_87 = arith.cmpi eq, %jit3A_85, %eq3A_86 : i32
      %jit3A_88 = arith.constant 1 : i32
      %select_n3A_89 = arith.select %eq3A_87, %jit3A_88, %jit3A_85 : i32
      %rem3A_90 = arith.remsi %get3A_84, %select_n3A_89 : i32
      %ne3A_91 = arith.constant 0 : i32
      %ne3A_92 = arith.cmpi ne, %rem3A_90, %ne3A_91 : i32
      %lt3A_93 = arith.constant 0 : i32
      %lt3A_94 = arith.cmpi slt, %rem3A_90, %lt3A_93 : i32
      %lt3A_95 = arith.constant 0 : i32
      %lt3A_96 = arith.cmpi slt, %select_n3A_89, %lt3A_95 : i32
      %ne3A_97 = arith.xori %lt3A_94, %lt3A_96 : i1
      %and3A_98 = arith.andi %ne3A_97, %ne3A_92 : i1
      %add3A_99 = arith.addi %rem3A_90, %select_n3A_89 : i32
      %select_n3A_100 = arith.select %and3A_98, %add3A_99, %rem3A_90 : i32
      %add3A_101 = arith.addi %mul3A_81, %select_n3A_100 : i32
      %jit3A_102 = arith.constant 28 : i32
      %eq3A_103 = arith.constant 0 : i32
      %eq3A_104 = arith.cmpi eq, %jit3A_102, %eq3A_103 : i32
      %jit3A_105 = arith.constant 1 : i32
      %select_n3A_106 = arith.select %eq3A_104, %jit3A_105, %jit3A_102 : i32
      %rem3A_107 = arith.remsi %add3A_101, %select_n3A_106 : i32
      %ne3A_108 = arith.constant 0 : i32
      %ne3A_109 = arith.cmpi ne, %rem3A_107, %ne3A_108 : i32
      %lt3A_110 = arith.constant 0 : i32
      %lt3A_111 = arith.cmpi slt, %rem3A_107, %lt3A_110 : i32
      %lt3A_112 = arith.constant 0 : i32
      %lt3A_113 = arith.cmpi slt, %select_n3A_106, %lt3A_112 : i32
      %ne3A_114 = arith.xori %lt3A_111, %lt3A_113 : i1
      %and3A_115 = arith.andi %ne3A_114, %ne3A_109 : i1
      %add3A_116 = arith.addi %rem3A_107, %select_n3A_106 : i32
      %select_n3A_117 = arith.select %and3A_115, %add3A_116, %rem3A_107 : i32
      %mul3A_118 = arith.constant 4 : i32
      %mul3A_119 = arith.muli %select_n3A_60, %mul3A_118 : i32
      %add3A_120 = arith.addi %mul3A_119, %select_n3A_117 : i32
      %jit3A_121 = arith.constant 28 : i32
      %eq3A_122 = arith.constant 0 : i32
      %eq3A_123 = arith.cmpi eq, %jit3A_121, %eq3A_122 : i32
      %jit3A_124 = arith.constant 1 : i32
      %select_n3A_125 = arith.select %eq3A_123, %jit3A_124, %jit3A_121 : i32
      %rem3A_126 = arith.remsi %add3A_120, %select_n3A_125 : i32
      %ne3A_127 = arith.constant 0 : i32
      %ne3A_128 = arith.cmpi ne, %rem3A_126, %ne3A_127 : i32
      %lt3A_129 = arith.constant 0 : i32
      %lt3A_130 = arith.cmpi slt, %rem3A_126, %lt3A_129 : i32
      %lt3A_131 = arith.constant 0 : i32
      %lt3A_132 = arith.cmpi slt, %select_n3A_125, %lt3A_131 : i32
      %ne3A_133 = arith.xori %lt3A_130, %lt3A_132 : i1
      %and3A_134 = arith.andi %ne3A_133, %ne3A_128 : i1
      %add3A_135 = arith.addi %rem3A_126, %select_n3A_125 : i32
      %select_n3A_136 = arith.select %and3A_134, %add3A_135, %rem3A_126 : i32
      %add3A_137 = arith.addi %scan3A_7, %select_n3A : i32
      %gt3A_138 = arith.constant 0 : i32
      %gt3A_139 = arith.cmpi sgt, %select_n3A_136, %gt3A_138 : i32
      %lt3A_140 = arith.constant 80 : i32
      %lt3A_141 = arith.cmpi slt, %select_n3A_136, %lt3A_140 : i32
      %and3A_142 = arith.andi %gt3A_139, %lt3A_141 : i1
      %jit3A_143 = arith.constant 1 : i32
      %jit3A_144 = arith.constant 0 : i32
      %select_n3A_145 = arith.select %and3A_142, %jit3A_143, %jit3A_144 : i32
      %mul3A_146 = arith.muli %select_n3A, %select_n3A_145 : i32
      %sub3A = arith.constant 80 : i32
      %sub3A_147 = arith.subi %sub3A, %select_n3A_136 : i32
      %add3A_148 = arith.constant 1 : i32
      %add3A_149 = arith.addi %sub3A_147, %add3A_148 : i32
      %jit3A_150 = arith.constant 65536 : i32
      %eq3A_151 = arith.constant 0 : i32
      %eq3A_152 = arith.cmpi eq, %add3A_149, %eq3A_151 : i32
      %jit3A_153 = arith.constant 1 : i32
      %select_n3A_154 = arith.select %eq3A_152, %jit3A_153, %add3A_149 : i32
      %rem3A_155 = arith.remsi %jit3A_150, %select_n3A_154 : i32
      %ne3A_156 = arith.constant 0 : i32
      %ne3A_157 = arith.cmpi ne, %rem3A_155, %ne3A_156 : i32
      %lt3A_158 = arith.constant 0 : i32
      %lt3A_159 = arith.cmpi slt, %rem3A_155, %lt3A_158 : i32
      %lt3A_160 = arith.constant 0 : i32
      %lt3A_161 = arith.cmpi slt, %select_n3A_154, %lt3A_160 : i32
      %ne3A_162 = arith.xori %lt3A_159, %lt3A_161 : i1
      %and3A_163 = arith.andi %ne3A_162, %ne3A_157 : i1
      %add3A_164 = arith.addi %rem3A_155, %select_n3A_154 : i32
      %select_n3A_165 = arith.select %and3A_163, %add3A_164, %rem3A_155 : i32
      %mul3A_166 = arith.muli %select_n3A_165, %select_n3A_165 : i32
      %eq3A_167 = arith.constant 0 : i32
      %eq3A_168 = arith.cmpi eq, %add3A_149, %eq3A_167 : i32
      %jit3A_169 = arith.constant 1 : i32
      %select_n3A_170 = arith.select %eq3A_168, %jit3A_169, %add3A_149 : i32
      %rem3A_171 = arith.remsi %mul3A_166, %select_n3A_170 : i32
      %ne3A_172 = arith.constant 0 : i32
      %ne3A_173 = arith.cmpi ne, %rem3A_171, %ne3A_172 : i32
      %lt3A_174 = arith.constant 0 : i32
      %lt3A_175 = arith.cmpi slt, %rem3A_171, %lt3A_174 : i32
      %lt3A_176 = arith.constant 0 : i32
      %lt3A_177 = arith.cmpi slt, %select_n3A_170, %lt3A_176 : i32
      %ne3A_178 = arith.xori %lt3A_175, %lt3A_177 : i1
      %and3A_179 = arith.andi %ne3A_178, %ne3A_173 : i1
      %add3A_180 = arith.addi %rem3A_171, %select_n3A_170 : i32
      %select_n3A_181 = arith.select %and3A_179, %add3A_180, %rem3A_171 : i32
      %get3A_182 = arith.index_cast %add3A_137 : i32 to index
      %get3A_183 = arith.constant 0 : index
      %get3A_184 = memref.load %arg1[%get3A_182, %get3A_183] : memref<520x4xi32, #tpu.memory_space<smem>>
      %eq3A_185 = arith.constant 0 : i32
      %eq3A_186 = arith.cmpi eq, %add3A_149, %eq3A_185 : i32
      %jit3A_187 = arith.constant 1 : i32
      %select_n3A_188 = arith.select %eq3A_186, %jit3A_187, %add3A_149 : i32
      %rem3A_189 = arith.remsi %get3A_184, %select_n3A_188 : i32
      %ne3A_190 = arith.constant 0 : i32
      %ne3A_191 = arith.cmpi ne, %rem3A_189, %ne3A_190 : i32
      %lt3A_192 = arith.constant 0 : i32
      %lt3A_193 = arith.cmpi slt, %rem3A_189, %lt3A_192 : i32
      %lt3A_194 = arith.constant 0 : i32
      %lt3A_195 = arith.cmpi slt, %select_n3A_188, %lt3A_194 : i32
      %ne3A_196 = arith.xori %lt3A_193, %lt3A_195 : i1
      %and3A_197 = arith.andi %ne3A_196, %ne3A_191 : i1
      %add3A_198 = arith.addi %rem3A_189, %select_n3A_188 : i32
      %select_n3A_199 = arith.select %and3A_197, %add3A_198, %rem3A_189 : i32
      %mul3A_200 = arith.muli %select_n3A_199, %select_n3A_165 : i32
      %get3A_201 = arith.index_cast %add3A_137 : i32 to index
      %get3A_202 = arith.constant 1 : index
      %get3A_203 = memref.load %arg1[%get3A_201, %get3A_202] : memref<520x4xi32, #tpu.memory_space<smem>>
      %eq3A_204 = arith.constant 0 : i32
      %eq3A_205 = arith.cmpi eq, %add3A_149, %eq3A_204 : i32
      %jit3A_206 = arith.constant 1 : i32
      %select_n3A_207 = arith.select %eq3A_205, %jit3A_206, %add3A_149 : i32
      %rem3A_208 = arith.remsi %get3A_203, %select_n3A_207 : i32
      %ne3A_209 = arith.constant 0 : i32
      %ne3A_210 = arith.cmpi ne, %rem3A_208, %ne3A_209 : i32
      %lt3A_211 = arith.constant 0 : i32
      %lt3A_212 = arith.cmpi slt, %rem3A_208, %lt3A_211 : i32
      %lt3A_213 = arith.constant 0 : i32
      %lt3A_214 = arith.cmpi slt, %select_n3A_207, %lt3A_213 : i32
      %ne3A_215 = arith.xori %lt3A_212, %lt3A_214 : i1
      %and3A_216 = arith.andi %ne3A_215, %ne3A_210 : i1
      %add3A_217 = arith.addi %rem3A_208, %select_n3A_207 : i32
      %select_n3A_218 = arith.select %and3A_216, %add3A_217, %rem3A_208 : i32
      %add3A_219 = arith.addi %mul3A_200, %select_n3A_218 : i32
      %eq3A_220 = arith.constant 0 : i32
      %eq3A_221 = arith.cmpi eq, %add3A_149, %eq3A_220 : i32
      %jit3A_222 = arith.constant 1 : i32
      %select_n3A_223 = arith.select %eq3A_221, %jit3A_222, %add3A_149 : i32
      %rem3A_224 = arith.remsi %add3A_219, %select_n3A_223 : i32
      %ne3A_225 = arith.constant 0 : i32
      %ne3A_226 = arith.cmpi ne, %rem3A_224, %ne3A_225 : i32
      %lt3A_227 = arith.constant 0 : i32
      %lt3A_228 = arith.cmpi slt, %rem3A_224, %lt3A_227 : i32
      %lt3A_229 = arith.constant 0 : i32
      %lt3A_230 = arith.cmpi slt, %select_n3A_223, %lt3A_229 : i32
      %ne3A_231 = arith.xori %lt3A_228, %lt3A_230 : i1
      %and3A_232 = arith.andi %ne3A_231, %ne3A_226 : i1
      %add3A_233 = arith.addi %rem3A_224, %select_n3A_223 : i32
      %select_n3A_234 = arith.select %and3A_232, %add3A_233, %rem3A_224 : i32
      %get3A_235 = arith.index_cast %add3A_137 : i32 to index
      %get3A_236 = arith.constant 2 : index
      %get3A_237 = memref.load %arg1[%get3A_235, %get3A_236] : memref<520x4xi32, #tpu.memory_space<smem>>
      %eq3A_238 = arith.constant 0 : i32
      %eq3A_239 = arith.cmpi eq, %add3A_149, %eq3A_238 : i32
      %jit3A_240 = arith.constant 1 : i32
      %select_n3A_241 = arith.select %eq3A_239, %jit3A_240, %add3A_149 : i32
      %rem3A_242 = arith.remsi %get3A_237, %select_n3A_241 : i32
      %ne3A_243 = arith.constant 0 : i32
      %ne3A_244 = arith.cmpi ne, %rem3A_242, %ne3A_243 : i32
      %lt3A_245 = arith.constant 0 : i32
      %lt3A_246 = arith.cmpi slt, %rem3A_242, %lt3A_245 : i32
      %lt3A_247 = arith.constant 0 : i32
      %lt3A_248 = arith.cmpi slt, %select_n3A_241, %lt3A_247 : i32
      %ne3A_249 = arith.xori %lt3A_246, %lt3A_248 : i1
      %and3A_250 = arith.andi %ne3A_249, %ne3A_244 : i1
      %add3A_251 = arith.addi %rem3A_242, %select_n3A_241 : i32
      %select_n3A_252 = arith.select %and3A_250, %add3A_251, %rem3A_242 : i32
      %mul3A_253 = arith.muli %select_n3A_252, %select_n3A_165 : i32
      %get3A_254 = arith.index_cast %add3A_137 : i32 to index
      %get3A_255 = arith.constant 3 : index
      %get3A_256 = memref.load %arg1[%get3A_254, %get3A_255] : memref<520x4xi32, #tpu.memory_space<smem>>
      %eq3A_257 = arith.constant 0 : i32
      %eq3A_258 = arith.cmpi eq, %add3A_149, %eq3A_257 : i32
      %jit3A_259 = arith.constant 1 : i32
      %select_n3A_260 = arith.select %eq3A_258, %jit3A_259, %add3A_149 : i32
      %rem3A_261 = arith.remsi %get3A_256, %select_n3A_260 : i32
      %ne3A_262 = arith.constant 0 : i32
      %ne3A_263 = arith.cmpi ne, %rem3A_261, %ne3A_262 : i32
      %lt3A_264 = arith.constant 0 : i32
      %lt3A_265 = arith.cmpi slt, %rem3A_261, %lt3A_264 : i32
      %lt3A_266 = arith.constant 0 : i32
      %lt3A_267 = arith.cmpi slt, %select_n3A_260, %lt3A_266 : i32
      %ne3A_268 = arith.xori %lt3A_265, %lt3A_267 : i1
      %and3A_269 = arith.andi %ne3A_268, %ne3A_263 : i1
      %add3A_270 = arith.addi %rem3A_261, %select_n3A_260 : i32
      %select_n3A_271 = arith.select %and3A_269, %add3A_270, %rem3A_261 : i32
      %add3A_272 = arith.addi %mul3A_253, %select_n3A_271 : i32
      %eq3A_273 = arith.constant 0 : i32
      %eq3A_274 = arith.cmpi eq, %add3A_149, %eq3A_273 : i32
      %jit3A_275 = arith.constant 1 : i32
      %select_n3A_276 = arith.select %eq3A_274, %jit3A_275, %add3A_149 : i32
      %rem3A_277 = arith.remsi %add3A_272, %select_n3A_276 : i32
      %ne3A_278 = arith.constant 0 : i32
      %ne3A_279 = arith.cmpi ne, %rem3A_277, %ne3A_278 : i32
      %lt3A_280 = arith.constant 0 : i32
      %lt3A_281 = arith.cmpi slt, %rem3A_277, %lt3A_280 : i32
      %lt3A_282 = arith.constant 0 : i32
      %lt3A_283 = arith.cmpi slt, %select_n3A_276, %lt3A_282 : i32
      %ne3A_284 = arith.xori %lt3A_281, %lt3A_283 : i1
      %and3A_285 = arith.andi %ne3A_284, %ne3A_279 : i1
      %add3A_286 = arith.addi %rem3A_277, %select_n3A_276 : i32
      %select_n3A_287 = arith.select %and3A_285, %add3A_286, %rem3A_277 : i32
      %mul3A_288 = arith.muli %select_n3A_234, %select_n3A_181 : i32
      %add3A_289 = arith.addi %mul3A_288, %select_n3A_287 : i32
      %eq3A_290 = arith.constant 0 : i32
      %eq3A_291 = arith.cmpi eq, %add3A_149, %eq3A_290 : i32
      %jit3A_292 = arith.constant 1 : i32
      %select_n3A_293 = arith.select %eq3A_291, %jit3A_292, %add3A_149 : i32
      %rem3A_294 = arith.remsi %add3A_289, %select_n3A_293 : i32
      %ne3A_295 = arith.constant 0 : i32
      %ne3A_296 = arith.cmpi ne, %rem3A_294, %ne3A_295 : i32
      %lt3A_297 = arith.constant 0 : i32
      %lt3A_298 = arith.cmpi slt, %rem3A_294, %lt3A_297 : i32
      %lt3A_299 = arith.constant 0 : i32
      %lt3A_300 = arith.cmpi slt, %select_n3A_293, %lt3A_299 : i32
      %ne3A_301 = arith.xori %lt3A_298, %lt3A_300 : i1
      %and3A_302 = arith.andi %ne3A_301, %ne3A_296 : i1
      %add3A_303 = arith.addi %rem3A_294, %select_n3A_293 : i32
      %select_n3A_304 = arith.select %and3A_302, %add3A_303, %rem3A_294 : i32
      %swap3A = arith.index_cast %scan3A_6 : i32 to index
      %swap3A_305 = arith.constant 0 : index
      %swap3A_306 = memref.load %arg2[%swap3A, %swap3A_305] : memref<64x13xi32, #tpu.memory_space<smem>>
      memref.store %select_n3A_304, %arg2[%swap3A, %swap3A_305] : memref<64x13xi32, #tpu.memory_space<smem>>
      %swap3A_307 = arith.index_cast %scan3A_6 : i32 to index
      %swap3A_308 = arith.constant 1 : index
      %swap3A_309 = memref.load %arg2[%swap3A_307, %swap3A_308] : memref<64x13xi32, #tpu.memory_space<smem>>
      memref.store %select_n3A_136, %arg2[%swap3A_307, %swap3A_308] : memref<64x13xi32, #tpu.memory_space<smem>>
      %swap3A_310 = arith.index_cast %scan3A_6 : i32 to index
      %swap3A_311 = arith.constant 2 : index
      %swap3A_312 = memref.load %arg2[%swap3A_310, %swap3A_311] : memref<64x13xi32, #tpu.memory_space<smem>>
      memref.store %mul3A_146, %arg2[%swap3A_310, %swap3A_311] : memref<64x13xi32, #tpu.memory_space<smem>>
      %add3A_313 = arith.addi %add3A_137, %mul3A_146 : i32
      %get3A_314 = arith.index_cast %add3A_313 : i32 to index
      %get3A_315 = arith.constant 0 : index
      %get3A_316 = memref.load %arg1[%get3A_314, %get3A_315] : memref<520x4xi32, #tpu.memory_space<smem>>
      %jit3A_317 = arith.constant 28 : i32
      %eq3A_318 = arith.constant 0 : i32
      %eq3A_319 = arith.cmpi eq, %jit3A_317, %eq3A_318 : i32
      %jit3A_320 = arith.constant 1 : i32
      %select_n3A_321 = arith.select %eq3A_319, %jit3A_320, %jit3A_317 : i32
      %rem3A_322 = arith.remsi %get3A_316, %select_n3A_321 : i32
      %ne3A_323 = arith.constant 0 : i32
      %ne3A_324 = arith.cmpi ne, %rem3A_322, %ne3A_323 : i32
      %lt3A_325 = arith.constant 0 : i32
      %lt3A_326 = arith.cmpi slt, %rem3A_322, %lt3A_325 : i32
      %lt3A_327 = arith.constant 0 : i32
      %lt3A_328 = arith.cmpi slt, %select_n3A_321, %lt3A_327 : i32
      %ne3A_329 = arith.xori %lt3A_326, %lt3A_328 : i1
      %and3A_330 = arith.andi %ne3A_329, %ne3A_324 : i1
      %add3A_331 = arith.addi %rem3A_322, %select_n3A_321 : i32
      %select_n3A_332 = arith.select %and3A_330, %add3A_331, %rem3A_322 : i32
      %mul3A_333 = arith.constant 16 : i32
      %mul3A_334 = arith.muli %select_n3A_332, %mul3A_333 : i32
      %get3A_335 = arith.index_cast %add3A_313 : i32 to index
      %get3A_336 = arith.constant 1 : index
      %get3A_337 = memref.load %arg1[%get3A_335, %get3A_336] : memref<520x4xi32, #tpu.memory_space<smem>>
      %jit3A_338 = arith.constant 28 : i32
      %eq3A_339 = arith.constant 0 : i32
      %eq3A_340 = arith.cmpi eq, %jit3A_338, %eq3A_339 : i32
      %jit3A_341 = arith.constant 1 : i32
      %select_n3A_342 = arith.select %eq3A_340, %jit3A_341, %jit3A_338 : i32
      %rem3A_343 = arith.remsi %get3A_337, %select_n3A_342 : i32
      %ne3A_344 = arith.constant 0 : i32
      %ne3A_345 = arith.cmpi ne, %rem3A_343, %ne3A_344 : i32
      %lt3A_346 = arith.constant 0 : i32
      %lt3A_347 = arith.cmpi slt, %rem3A_343, %lt3A_346 : i32
      %lt3A_348 = arith.constant 0 : i32
      %lt3A_349 = arith.cmpi slt, %select_n3A_342, %lt3A_348 : i32
      %ne3A_350 = arith.xori %lt3A_347, %lt3A_349 : i1
      %and3A_351 = arith.andi %ne3A_350, %ne3A_345 : i1
      %add3A_352 = arith.addi %rem3A_343, %select_n3A_342 : i32
      %select_n3A_353 = arith.select %and3A_351, %add3A_352, %rem3A_343 : i32
      %add3A_354 = arith.addi %mul3A_334, %select_n3A_353 : i32
      %jit3A_355 = arith.constant 28 : i32
      %eq3A_356 = arith.constant 0 : i32
      %eq3A_357 = arith.cmpi eq, %jit3A_355, %eq3A_356 : i32
      %jit3A_358 = arith.constant 1 : i32
      %select_n3A_359 = arith.select %eq3A_357, %jit3A_358, %jit3A_355 : i32
      %rem3A_360 = arith.remsi %add3A_354, %select_n3A_359 : i32
      %ne3A_361 = arith.constant 0 : i32
      %ne3A_362 = arith.cmpi ne, %rem3A_360, %ne3A_361 : i32
      %lt3A_363 = arith.constant 0 : i32
      %lt3A_364 = arith.cmpi slt, %rem3A_360, %lt3A_363 : i32
      %lt3A_365 = arith.constant 0 : i32
      %lt3A_366 = arith.cmpi slt, %select_n3A_359, %lt3A_365 : i32
      %ne3A_367 = arith.xori %lt3A_364, %lt3A_366 : i1
      %and3A_368 = arith.andi %ne3A_367, %ne3A_362 : i1
      %add3A_369 = arith.addi %rem3A_360, %select_n3A_359 : i32
      %select_n3A_370 = arith.select %and3A_368, %add3A_369, %rem3A_360 : i32
      %get3A_371 = arith.index_cast %add3A_313 : i32 to index
      %get3A_372 = arith.constant 2 : index
      %get3A_373 = memref.load %arg1[%get3A_371, %get3A_372] : memref<520x4xi32, #tpu.memory_space<smem>>
      %jit3A_374 = arith.constant 28 : i32
      %eq3A_375 = arith.constant 0 : i32
      %eq3A_376 = arith.cmpi eq, %jit3A_374, %eq3A_375 : i32
      %jit3A_377 = arith.constant 1 : i32
      %select_n3A_378 = arith.select %eq3A_376, %jit3A_377, %jit3A_374 : i32
      %rem3A_379 = arith.remsi %get3A_373, %select_n3A_378 : i32
      %ne3A_380 = arith.constant 0 : i32
      %ne3A_381 = arith.cmpi ne, %rem3A_379, %ne3A_380 : i32
      %lt3A_382 = arith.constant 0 : i32
      %lt3A_383 = arith.cmpi slt, %rem3A_379, %lt3A_382 : i32
      %lt3A_384 = arith.constant 0 : i32
      %lt3A_385 = arith.cmpi slt, %select_n3A_378, %lt3A_384 : i32
      %ne3A_386 = arith.xori %lt3A_383, %lt3A_385 : i1
      %and3A_387 = arith.andi %ne3A_386, %ne3A_381 : i1
      %add3A_388 = arith.addi %rem3A_379, %select_n3A_378 : i32
      %select_n3A_389 = arith.select %and3A_387, %add3A_388, %rem3A_379 : i32
      %mul3A_390 = arith.constant 16 : i32
      %mul3A_391 = arith.muli %select_n3A_389, %mul3A_390 : i32
      %get3A_392 = arith.index_cast %add3A_313 : i32 to index
      %get3A_393 = arith.constant 3 : index
      %get3A_394 = memref.load %arg1[%get3A_392, %get3A_393] : memref<520x4xi32, #tpu.memory_space<smem>>
      %jit3A_395 = arith.constant 28 : i32
      %eq3A_396 = arith.constant 0 : i32
      %eq3A_397 = arith.cmpi eq, %jit3A_395, %eq3A_396 : i32
      %jit3A_398 = arith.constant 1 : i32
      %select_n3A_399 = arith.select %eq3A_397, %jit3A_398, %jit3A_395 : i32
      %rem3A_400 = arith.remsi %get3A_394, %select_n3A_399 : i32
      %ne3A_401 = arith.constant 0 : i32
      %ne3A_402 = arith.cmpi ne, %rem3A_400, %ne3A_401 : i32
      %lt3A_403 = arith.constant 0 : i32
      %lt3A_404 = arith.cmpi slt, %rem3A_400, %lt3A_403 : i32
      %lt3A_405 = arith.constant 0 : i32
      %lt3A_406 = arith.cmpi slt, %select_n3A_399, %lt3A_405 : i32
      %ne3A_407 = arith.xori %lt3A_404, %lt3A_406 : i1
      %and3A_408 = arith.andi %ne3A_407, %ne3A_402 : i1
      %add3A_409 = arith.addi %rem3A_400, %select_n3A_399 : i32
      %select_n3A_410 = arith.select %and3A_408, %add3A_409, %rem3A_400 : i32
      %add3A_411 = arith.addi %mul3A_391, %select_n3A_410 : i32
      %jit3A_412 = arith.constant 28 : i32
      %eq3A_413 = arith.constant 0 : i32
      %eq3A_414 = arith.cmpi eq, %jit3A_412, %eq3A_413 : i32
      %jit3A_415 = arith.constant 1 : i32
      %select_n3A_416 = arith.select %eq3A_414, %jit3A_415, %jit3A_412 : i32
      %rem3A_417 = arith.remsi %add3A_411, %select_n3A_416 : i32
      %ne3A_418 = arith.constant 0 : i32
      %ne3A_419 = arith.cmpi ne, %rem3A_417, %ne3A_418 : i32
      %lt3A_420 = arith.constant 0 : i32
      %lt3A_421 = arith.cmpi slt, %rem3A_417, %lt3A_420 : i32
      %lt3A_422 = arith.constant 0 : i32
      %lt3A_423 = arith.cmpi slt, %select_n3A_416, %lt3A_422 : i32
      %ne3A_424 = arith.xori %lt3A_421, %lt3A_423 : i1
      %and3A_425 = arith.andi %ne3A_424, %ne3A_419 : i1
      %add3A_426 = arith.addi %rem3A_417, %select_n3A_416 : i32
      %select_n3A_427 = arith.select %and3A_425, %add3A_426, %rem3A_417 : i32
      %mul3A_428 = arith.constant 4 : i32
      %mul3A_429 = arith.muli %select_n3A_370, %mul3A_428 : i32
      %add3A_430 = arith.addi %mul3A_429, %select_n3A_427 : i32
      %jit3A_431 = arith.constant 28 : i32
      %eq3A_432 = arith.constant 0 : i32
      %eq3A_433 = arith.cmpi eq, %jit3A_431, %eq3A_432 : i32
      %jit3A_434 = arith.constant 1 : i32
      %select_n3A_435 = arith.select %eq3A_433, %jit3A_434, %jit3A_431 : i32
      %rem3A_436 = arith.remsi %add3A_430, %select_n3A_435 : i32
      %ne3A_437 = arith.constant 0 : i32
      %ne3A_438 = arith.cmpi ne, %rem3A_436, %ne3A_437 : i32
      %lt3A_439 = arith.constant 0 : i32
      %lt3A_440 = arith.cmpi slt, %rem3A_436, %lt3A_439 : i32
      %lt3A_441 = arith.constant 0 : i32
      %lt3A_442 = arith.cmpi slt, %select_n3A_435, %lt3A_441 : i32
      %ne3A_443 = arith.xori %lt3A_440, %lt3A_442 : i1
      %and3A_444 = arith.andi %ne3A_443, %ne3A_438 : i1
      %add3A_445 = arith.addi %rem3A_436, %select_n3A_435 : i32
      %select_n3A_446 = arith.select %and3A_444, %add3A_445, %rem3A_436 : i32
      %add3A_447 = arith.addi %add3A_313, %select_n3A : i32
      %gt3A_448 = arith.constant 0 : i32
      %gt3A_449 = arith.cmpi sgt, %select_n3A_446, %gt3A_448 : i32
      %lt3A_450 = arith.constant 80 : i32
      %lt3A_451 = arith.cmpi slt, %select_n3A_446, %lt3A_450 : i32
      %and3A_452 = arith.andi %gt3A_449, %lt3A_451 : i1
      %jit3A_453 = arith.constant 1 : i32
      %jit3A_454 = arith.constant 0 : i32
      %select_n3A_455 = arith.select %and3A_452, %jit3A_453, %jit3A_454 : i32
      %mul3A_456 = arith.muli %select_n3A, %select_n3A_455 : i32
      %sub3A_457 = arith.constant 80 : i32
      %sub3A_458 = arith.subi %sub3A_457, %select_n3A_446 : i32
      %add3A_459 = arith.constant 1 : i32
      %add3A_460 = arith.addi %sub3A_458, %add3A_459 : i32
      %jit3A_461 = arith.constant 65536 : i32
      %eq3A_462 = arith.constant 0 : i32
      %eq3A_463 = arith.cmpi eq, %add3A_460, %eq3A_462 : i32
      %jit3A_464 = arith.constant 1 : i32
      %select_n3A_465 = arith.select %eq3A_463, %jit3A_464, %add3A_460 : i32
      %rem3A_466 = arith.remsi %jit3A_461, %select_n3A_465 : i32
      %ne3A_467 = arith.constant 0 : i32
      %ne3A_468 = arith.cmpi ne, %rem3A_466, %ne3A_467 : i32
      %lt3A_469 = arith.constant 0 : i32
      %lt3A_470 = arith.cmpi slt, %rem3A_466, %lt3A_469 : i32
      %lt3A_471 = arith.constant 0 : i32
      %lt3A_472 = arith.cmpi slt, %select_n3A_465, %lt3A_471 : i32
      %ne3A_473 = arith.xori %lt3A_470, %lt3A_472 : i1
      %and3A_474 = arith.andi %ne3A_473, %ne3A_468 : i1
      %add3A_475 = arith.addi %rem3A_466, %select_n3A_465 : i32
      %select_n3A_476 = arith.select %and3A_474, %add3A_475, %rem3A_466 : i32
      %mul3A_477 = arith.muli %select_n3A_476, %select_n3A_476 : i32
      %eq3A_478 = arith.constant 0 : i32
      %eq3A_479 = arith.cmpi eq, %add3A_460, %eq3A_478 : i32
      %jit3A_480 = arith.constant 1 : i32
      %select_n3A_481 = arith.select %eq3A_479, %jit3A_480, %add3A_460 : i32
      %rem3A_482 = arith.remsi %mul3A_477, %select_n3A_481 : i32
      %ne3A_483 = arith.constant 0 : i32
      %ne3A_484 = arith.cmpi ne, %rem3A_482, %ne3A_483 : i32
      %lt3A_485 = arith.constant 0 : i32
      %lt3A_486 = arith.cmpi slt, %rem3A_482, %lt3A_485 : i32
      %lt3A_487 = arith.constant 0 : i32
      %lt3A_488 = arith.cmpi slt, %select_n3A_481, %lt3A_487 : i32
      %ne3A_489 = arith.xori %lt3A_486, %lt3A_488 : i1
      %and3A_490 = arith.andi %ne3A_489, %ne3A_484 : i1
      %add3A_491 = arith.addi %rem3A_482, %select_n3A_481 : i32
      %select_n3A_492 = arith.select %and3A_490, %add3A_491, %rem3A_482 : i32
      %get3A_493 = arith.index_cast %add3A_447 : i32 to index
      %get3A_494 = arith.constant 0 : index
      %get3A_495 = memref.load %arg1[%get3A_493, %get3A_494] : memref<520x4xi32, #tpu.memory_space<smem>>
      %eq3A_496 = arith.constant 0 : i32
      %eq3A_497 = arith.cmpi eq, %add3A_460, %eq3A_496 : i32
      %jit3A_498 = arith.constant 1 : i32
      %select_n3A_499 = arith.select %eq3A_497, %jit3A_498, %add3A_460 : i32
      %rem3A_500 = arith.remsi %get3A_495, %select_n3A_499 : i32
      %ne3A_501 = arith.constant 0 : i32
      %ne3A_502 = arith.cmpi ne, %rem3A_500, %ne3A_501 : i32
      %lt3A_503 = arith.constant 0 : i32
      %lt3A_504 = arith.cmpi slt, %rem3A_500, %lt3A_503 : i32
      %lt3A_505 = arith.constant 0 : i32
      %lt3A_506 = arith.cmpi slt, %select_n3A_499, %lt3A_505 : i32
      %ne3A_507 = arith.xori %lt3A_504, %lt3A_506 : i1
      %and3A_508 = arith.andi %ne3A_507, %ne3A_502 : i1
      %add3A_509 = arith.addi %rem3A_500, %select_n3A_499 : i32
      %select_n3A_510 = arith.select %and3A_508, %add3A_509, %rem3A_500 : i32
      %mul3A_511 = arith.muli %select_n3A_510, %select_n3A_476 : i32
      %get3A_512 = arith.index_cast %add3A_447 : i32 to index
      %get3A_513 = arith.constant 1 : index
      %get3A_514 = memref.load %arg1[%get3A_512, %get3A_513] : memref<520x4xi32, #tpu.memory_space<smem>>
      %eq3A_515 = arith.constant 0 : i32
      %eq3A_516 = arith.cmpi eq, %add3A_460, %eq3A_515 : i32
      %jit3A_517 = arith.constant 1 : i32
      %select_n3A_518 = arith.select %eq3A_516, %jit3A_517, %add3A_460 : i32
      %rem3A_519 = arith.remsi %get3A_514, %select_n3A_518 : i32
      %ne3A_520 = arith.constant 0 : i32
      %ne3A_521 = arith.cmpi ne, %rem3A_519, %ne3A_520 : i32
      %lt3A_522 = arith.constant 0 : i32
      %lt3A_523 = arith.cmpi slt, %rem3A_519, %lt3A_522 : i32
      %lt3A_524 = arith.constant 0 : i32
      %lt3A_525 = arith.cmpi slt, %select_n3A_518, %lt3A_524 : i32
      %ne3A_526 = arith.xori %lt3A_523, %lt3A_525 : i1
      %and3A_527 = arith.andi %ne3A_526, %ne3A_521 : i1
      %add3A_528 = arith.addi %rem3A_519, %select_n3A_518 : i32
      %select_n3A_529 = arith.select %and3A_527, %add3A_528, %rem3A_519 : i32
      %add3A_530 = arith.addi %mul3A_511, %select_n3A_529 : i32
      %eq3A_531 = arith.constant 0 : i32
      %eq3A_532 = arith.cmpi eq, %add3A_460, %eq3A_531 : i32
      %jit3A_533 = arith.constant 1 : i32
      %select_n3A_534 = arith.select %eq3A_532, %jit3A_533, %add3A_460 : i32
      %rem3A_535 = arith.remsi %add3A_530, %select_n3A_534 : i32
      %ne3A_536 = arith.constant 0 : i32
      %ne3A_537 = arith.cmpi ne, %rem3A_535, %ne3A_536 : i32
      %lt3A_538 = arith.constant 0 : i32
      %lt3A_539 = arith.cmpi slt, %rem3A_535, %lt3A_538 : i32
      %lt3A_540 = arith.constant 0 : i32
      %lt3A_541 = arith.cmpi slt, %select_n3A_534, %lt3A_540 : i32
      %ne3A_542 = arith.xori %lt3A_539, %lt3A_541 : i1
      %and3A_543 = arith.andi %ne3A_542, %ne3A_537 : i1
      %add3A_544 = arith.addi %rem3A_535, %select_n3A_534 : i32
      %select_n3A_545 = arith.select %and3A_543, %add3A_544, %rem3A_535 : i32
      %get3A_546 = arith.index_cast %add3A_447 : i32 to index
      %get3A_547 = arith.constant 2 : index
      %get3A_548 = memref.load %arg1[%get3A_546, %get3A_547] : memref<520x4xi32, #tpu.memory_space<smem>>
      %eq3A_549 = arith.constant 0 : i32
      %eq3A_550 = arith.cmpi eq, %add3A_460, %eq3A_549 : i32
      %jit3A_551 = arith.constant 1 : i32
      %select_n3A_552 = arith.select %eq3A_550, %jit3A_551, %add3A_460 : i32
      %rem3A_553 = arith.remsi %get3A_548, %select_n3A_552 : i32
      %ne3A_554 = arith.constant 0 : i32
      %ne3A_555 = arith.cmpi ne, %rem3A_553, %ne3A_554 : i32
      %lt3A_556 = arith.constant 0 : i32
      %lt3A_557 = arith.cmpi slt, %rem3A_553, %lt3A_556 : i32
      %lt3A_558 = arith.constant 0 : i32
      %lt3A_559 = arith.cmpi slt, %select_n3A_552, %lt3A_558 : i32
      %ne3A_560 = arith.xori %lt3A_557, %lt3A_559 : i1
      %and3A_561 = arith.andi %ne3A_560, %ne3A_555 : i1
      %add3A_562 = arith.addi %rem3A_553, %select_n3A_552 : i32
      %select_n3A_563 = arith.select %and3A_561, %add3A_562, %rem3A_553 : i32
      %mul3A_564 = arith.muli %select_n3A_563, %select_n3A_476 : i32
      %get3A_565 = arith.index_cast %add3A_447 : i32 to index
      %get3A_566 = arith.constant 3 : index
      %get3A_567 = memref.load %arg1[%get3A_565, %get3A_566] : memref<520x4xi32, #tpu.memory_space<smem>>
      %eq3A_568 = arith.constant 0 : i32
      %eq3A_569 = arith.cmpi eq, %add3A_460, %eq3A_568 : i32
      %jit3A_570 = arith.constant 1 : i32
      %select_n3A_571 = arith.select %eq3A_569, %jit3A_570, %add3A_460 : i32
      %rem3A_572 = arith.remsi %get3A_567, %select_n3A_571 : i32
      %ne3A_573 = arith.constant 0 : i32
      %ne3A_574 = arith.cmpi ne, %rem3A_572, %ne3A_573 : i32
      %lt3A_575 = arith.constant 0 : i32
      %lt3A_576 = arith.cmpi slt, %rem3A_572, %lt3A_575 : i32
      %lt3A_577 = arith.constant 0 : i32
      %lt3A_578 = arith.cmpi slt, %select_n3A_571, %lt3A_577 : i32
      %ne3A_579 = arith.xori %lt3A_576, %lt3A_578 : i1
      %and3A_580 = arith.andi %ne3A_579, %ne3A_574 : i1
      %add3A_581 = arith.addi %rem3A_572, %select_n3A_571 : i32
      %select_n3A_582 = arith.select %and3A_580, %add3A_581, %rem3A_572 : i32
      %add3A_583 = arith.addi %mul3A_564, %select_n3A_582 : i32
      %eq3A_584 = arith.constant 0 : i32
      %eq3A_585 = arith.cmpi eq, %add3A_460, %eq3A_584 : i32
      %jit3A_586 = arith.constant 1 : i32
      %select_n3A_587 = arith.select %eq3A_585, %jit3A_586, %add3A_460 : i32
      %rem3A_588 = arith.remsi %add3A_583, %select_n3A_587 : i32
      %ne3A_589 = arith.constant 0 : i32
      %ne3A_590 = arith.cmpi ne, %rem3A_588, %ne3A_589 : i32
      %lt3A_591 = arith.constant 0 : i32
      %lt3A_592 = arith.cmpi slt, %rem3A_588, %lt3A_591 : i32
      %lt3A_593 = arith.constant 0 : i32
      %lt3A_594 = arith.cmpi slt, %select_n3A_587, %lt3A_593 : i32
      %ne3A_595 = arith.xori %lt3A_592, %lt3A_594 : i1
      %and3A_596 = arith.andi %ne3A_595, %ne3A_590 : i1
      %add3A_597 = arith.addi %rem3A_588, %select_n3A_587 : i32
      %select_n3A_598 = arith.select %and3A_596, %add3A_597, %rem3A_588 : i32
      %mul3A_599 = arith.muli %select_n3A_545, %select_n3A_492 : i32
      %add3A_600 = arith.addi %mul3A_599, %select_n3A_598 : i32
      %eq3A_601 = arith.constant 0 : i32
      %eq3A_602 = arith.cmpi eq, %add3A_460, %eq3A_601 : i32
      %jit3A_603 = arith.constant 1 : i32
      %select_n3A_604 = arith.select %eq3A_602, %jit3A_603, %add3A_460 : i32
      %rem3A_605 = arith.remsi %add3A_600, %select_n3A_604 : i32
      %ne3A_606 = arith.constant 0 : i32
      %ne3A_607 = arith.cmpi ne, %rem3A_605, %ne3A_606 : i32
      %lt3A_608 = arith.constant 0 : i32
      %lt3A_609 = arith.cmpi slt, %rem3A_605, %lt3A_608 : i32
      %lt3A_610 = arith.constant 0 : i32
      %lt3A_611 = arith.cmpi slt, %select_n3A_604, %lt3A_610 : i32
      %ne3A_612 = arith.xori %lt3A_609, %lt3A_611 : i1
      %and3A_613 = arith.andi %ne3A_612, %ne3A_607 : i1
      %add3A_614 = arith.addi %rem3A_605, %select_n3A_604 : i32
      %select_n3A_615 = arith.select %and3A_613, %add3A_614, %rem3A_605 : i32
      %swap3A_616 = arith.index_cast %scan3A_6 : i32 to index
      %swap3A_617 = arith.constant 3 : index
      %swap3A_618 = memref.load %arg2[%swap3A_616, %swap3A_617] : memref<64x13xi32, #tpu.memory_space<smem>>
      memref.store %select_n3A_615, %arg2[%swap3A_616, %swap3A_617] : memref<64x13xi32, #tpu.memory_space<smem>>
      %swap3A_619 = arith.index_cast %scan3A_6 : i32 to index
      %swap3A_620 = arith.constant 4 : index
      %swap3A_621 = memref.load %arg2[%swap3A_619, %swap3A_620] : memref<64x13xi32, #tpu.memory_space<smem>>
      memref.store %select_n3A_446, %arg2[%swap3A_619, %swap3A_620] : memref<64x13xi32, #tpu.memory_space<smem>>
      %swap3A_622 = arith.index_cast %scan3A_6 : i32 to index
      %swap3A_623 = arith.constant 5 : index
      %swap3A_624 = memref.load %arg2[%swap3A_622, %swap3A_623] : memref<64x13xi32, #tpu.memory_space<smem>>
      memref.store %mul3A_456, %arg2[%swap3A_622, %swap3A_623] : memref<64x13xi32, #tpu.memory_space<smem>>
      %add3A_625 = arith.addi %add3A_447, %mul3A_456 : i32
      %min3A = arith.constant 100 : i32
      %min3A_626 = arith.minsi %min3A, %get3A_8 : i32
      %add3A_627 = arith.constant 1 : i32
      %add3A_628 = arith.addi %min3A_626, %add3A_627 : i32
      %jit3A_629 = arith.constant 65536 : i32
      %eq3A_630 = arith.constant 0 : i32
      %eq3A_631 = arith.cmpi eq, %add3A_628, %eq3A_630 : i32
      %jit3A_632 = arith.constant 1 : i32
      %select_n3A_633 = arith.select %eq3A_631, %jit3A_632, %add3A_628 : i32
      %rem3A_634 = arith.remsi %jit3A_629, %select_n3A_633 : i32
      %ne3A_635 = arith.constant 0 : i32
      %ne3A_636 = arith.cmpi ne, %rem3A_634, %ne3A_635 : i32
      %lt3A_637 = arith.constant 0 : i32
      %lt3A_638 = arith.cmpi slt, %rem3A_634, %lt3A_637 : i32
      %lt3A_639 = arith.constant 0 : i32
      %lt3A_640 = arith.cmpi slt, %select_n3A_633, %lt3A_639 : i32
      %ne3A_641 = arith.xori %lt3A_638, %lt3A_640 : i1
      %and3A_642 = arith.andi %ne3A_641, %ne3A_636 : i1
      %add3A_643 = arith.addi %rem3A_634, %select_n3A_633 : i32
      %select_n3A_644 = arith.select %and3A_642, %add3A_643, %rem3A_634 : i32
      %mul3A_645 = arith.muli %select_n3A_644, %select_n3A_644 : i32
      %eq3A_646 = arith.constant 0 : i32
      %eq3A_647 = arith.cmpi eq, %add3A_628, %eq3A_646 : i32
      %jit3A_648 = arith.constant 1 : i32
      %select_n3A_649 = arith.select %eq3A_647, %jit3A_648, %add3A_628 : i32
      %rem3A_650 = arith.remsi %mul3A_645, %select_n3A_649 : i32
      %ne3A_651 = arith.constant 0 : i32
      %ne3A_652 = arith.cmpi ne, %rem3A_650, %ne3A_651 : i32
      %lt3A_653 = arith.constant 0 : i32
      %lt3A_654 = arith.cmpi slt, %rem3A_650, %lt3A_653 : i32
      %lt3A_655 = arith.constant 0 : i32
      %lt3A_656 = arith.cmpi slt, %select_n3A_649, %lt3A_655 : i32
      %ne3A_657 = arith.xori %lt3A_654, %lt3A_656 : i1
      %and3A_658 = arith.andi %ne3A_657, %ne3A_652 : i1
      %add3A_659 = arith.addi %rem3A_650, %select_n3A_649 : i32
      %select_n3A_660 = arith.select %and3A_658, %add3A_659, %rem3A_650 : i32
      %get3A_661 = arith.index_cast %add3A_625 : i32 to index
      %get3A_662 = arith.constant 0 : index
      %get3A_663 = memref.load %arg1[%get3A_661, %get3A_662] : memref<520x4xi32, #tpu.memory_space<smem>>
      %eq3A_664 = arith.constant 0 : i32
      %eq3A_665 = arith.cmpi eq, %add3A_628, %eq3A_664 : i32
      %jit3A_666 = arith.constant 1 : i32
      %select_n3A_667 = arith.select %eq3A_665, %jit3A_666, %add3A_628 : i32
      %rem3A_668 = arith.remsi %get3A_663, %select_n3A_667 : i32
      %ne3A_669 = arith.constant 0 : i32
      %ne3A_670 = arith.cmpi ne, %rem3A_668, %ne3A_669 : i32
      %lt3A_671 = arith.constant 0 : i32
      %lt3A_672 = arith.cmpi slt, %rem3A_668, %lt3A_671 : i32
      %lt3A_673 = arith.constant 0 : i32
      %lt3A_674 = arith.cmpi slt, %select_n3A_667, %lt3A_673 : i32
      %ne3A_675 = arith.xori %lt3A_672, %lt3A_674 : i1
      %and3A_676 = arith.andi %ne3A_675, %ne3A_670 : i1
      %add3A_677 = arith.addi %rem3A_668, %select_n3A_667 : i32
      %select_n3A_678 = arith.select %and3A_676, %add3A_677, %rem3A_668 : i32
      %mul3A_679 = arith.muli %select_n3A_678, %select_n3A_644 : i32
      %get3A_680 = arith.index_cast %add3A_625 : i32 to index
      %get3A_681 = arith.constant 1 : index
      %get3A_682 = memref.load %arg1[%get3A_680, %get3A_681] : memref<520x4xi32, #tpu.memory_space<smem>>
      %eq3A_683 = arith.constant 0 : i32
      %eq3A_684 = arith.cmpi eq, %add3A_628, %eq3A_683 : i32
      %jit3A_685 = arith.constant 1 : i32
      %select_n3A_686 = arith.select %eq3A_684, %jit3A_685, %add3A_628 : i32
      %rem3A_687 = arith.remsi %get3A_682, %select_n3A_686 : i32
      %ne3A_688 = arith.constant 0 : i32
      %ne3A_689 = arith.cmpi ne, %rem3A_687, %ne3A_688 : i32
      %lt3A_690 = arith.constant 0 : i32
      %lt3A_691 = arith.cmpi slt, %rem3A_687, %lt3A_690 : i32
      %lt3A_692 = arith.constant 0 : i32
      %lt3A_693 = arith.cmpi slt, %select_n3A_686, %lt3A_692 : i32
      %ne3A_694 = arith.xori %lt3A_691, %lt3A_693 : i1
      %and3A_695 = arith.andi %ne3A_694, %ne3A_689 : i1
      %add3A_696 = arith.addi %rem3A_687, %select_n3A_686 : i32
      %select_n3A_697 = arith.select %and3A_695, %add3A_696, %rem3A_687 : i32
      %add3A_698 = arith.addi %mul3A_679, %select_n3A_697 : i32
      %eq3A_699 = arith.constant 0 : i32
      %eq3A_700 = arith.cmpi eq, %add3A_628, %eq3A_699 : i32
      %jit3A_701 = arith.constant 1 : i32
      %select_n3A_702 = arith.select %eq3A_700, %jit3A_701, %add3A_628 : i32
      %rem3A_703 = arith.remsi %add3A_698, %select_n3A_702 : i32
      %ne3A_704 = arith.constant 0 : i32
      %ne3A_705 = arith.cmpi ne, %rem3A_703, %ne3A_704 : i32
      %lt3A_706 = arith.constant 0 : i32
      %lt3A_707 = arith.cmpi slt, %rem3A_703, %lt3A_706 : i32
      %lt3A_708 = arith.constant 0 : i32
      %lt3A_709 = arith.cmpi slt, %select_n3A_702, %lt3A_708 : i32
      %ne3A_710 = arith.xori %lt3A_707, %lt3A_709 : i1
      %and3A_711 = arith.andi %ne3A_710, %ne3A_705 : i1
      %add3A_712 = arith.addi %rem3A_703, %select_n3A_702 : i32
      %select_n3A_713 = arith.select %and3A_711, %add3A_712, %rem3A_703 : i32
      %get3A_714 = arith.index_cast %add3A_625 : i32 to index
      %get3A_715 = arith.constant 2 : index
      %get3A_716 = memref.load %arg1[%get3A_714, %get3A_715] : memref<520x4xi32, #tpu.memory_space<smem>>
      %eq3A_717 = arith.constant 0 : i32
      %eq3A_718 = arith.cmpi eq, %add3A_628, %eq3A_717 : i32
      %jit3A_719 = arith.constant 1 : i32
      %select_n3A_720 = arith.select %eq3A_718, %jit3A_719, %add3A_628 : i32
      %rem3A_721 = arith.remsi %get3A_716, %select_n3A_720 : i32
      %ne3A_722 = arith.constant 0 : i32
      %ne3A_723 = arith.cmpi ne, %rem3A_721, %ne3A_722 : i32
      %lt3A_724 = arith.constant 0 : i32
      %lt3A_725 = arith.cmpi slt, %rem3A_721, %lt3A_724 : i32
      %lt3A_726 = arith.constant 0 : i32
      %lt3A_727 = arith.cmpi slt, %select_n3A_720, %lt3A_726 : i32
      %ne3A_728 = arith.xori %lt3A_725, %lt3A_727 : i1
      %and3A_729 = arith.andi %ne3A_728, %ne3A_723 : i1
      %add3A_730 = arith.addi %rem3A_721, %select_n3A_720 : i32
      %select_n3A_731 = arith.select %and3A_729, %add3A_730, %rem3A_721 : i32
      %mul3A_732 = arith.muli %select_n3A_731, %select_n3A_644 : i32
      %get3A_733 = arith.index_cast %add3A_625 : i32 to index
      %get3A_734 = arith.constant 3 : index
      %get3A_735 = memref.load %arg1[%get3A_733, %get3A_734] : memref<520x4xi32, #tpu.memory_space<smem>>
      %eq3A_736 = arith.constant 0 : i32
      %eq3A_737 = arith.cmpi eq, %add3A_628, %eq3A_736 : i32
      %jit3A_738 = arith.constant 1 : i32
      %select_n3A_739 = arith.select %eq3A_737, %jit3A_738, %add3A_628 : i32
      %rem3A_740 = arith.remsi %get3A_735, %select_n3A_739 : i32
      %ne3A_741 = arith.constant 0 : i32
      %ne3A_742 = arith.cmpi ne, %rem3A_740, %ne3A_741 : i32
      %lt3A_743 = arith.constant 0 : i32
      %lt3A_744 = arith.cmpi slt, %rem3A_740, %lt3A_743 : i32
      %lt3A_745 = arith.constant 0 : i32
      %lt3A_746 = arith.cmpi slt, %select_n3A_739, %lt3A_745 : i32
      %ne3A_747 = arith.xori %lt3A_744, %lt3A_746 : i1
      %and3A_748 = arith.andi %ne3A_747, %ne3A_742 : i1
      %add3A_749 = arith.addi %rem3A_740, %select_n3A_739 : i32
      %select_n3A_750 = arith.select %and3A_748, %add3A_749, %rem3A_740 : i32
      %add3A_751 = arith.addi %mul3A_732, %select_n3A_750 : i32
      %eq3A_752 = arith.constant 0 : i32
      %eq3A_753 = arith.cmpi eq, %add3A_628, %eq3A_752 : i32
      %jit3A_754 = arith.constant 1 : i32
      %select_n3A_755 = arith.select %eq3A_753, %jit3A_754, %add3A_628 : i32
      %rem3A_756 = arith.remsi %add3A_751, %select_n3A_755 : i32
      %ne3A_757 = arith.constant 0 : i32
      %ne3A_758 = arith.cmpi ne, %rem3A_756, %ne3A_757 : i32
      %lt3A_759 = arith.constant 0 : i32
      %lt3A_760 = arith.cmpi slt, %rem3A_756, %lt3A_759 : i32
      %lt3A_761 = arith.constant 0 : i32
      %lt3A_762 = arith.cmpi slt, %select_n3A_755, %lt3A_761 : i32
      %ne3A_763 = arith.xori %lt3A_760, %lt3A_762 : i1
      %and3A_764 = arith.andi %ne3A_763, %ne3A_758 : i1
      %add3A_765 = arith.addi %rem3A_756, %select_n3A_755 : i32
      %select_n3A_766 = arith.select %and3A_764, %add3A_765, %rem3A_756 : i32
      %mul3A_767 = arith.muli %select_n3A_713, %select_n3A_660 : i32
      %add3A_768 = arith.addi %mul3A_767, %select_n3A_766 : i32
      %eq3A_769 = arith.constant 0 : i32
      %eq3A_770 = arith.cmpi eq, %add3A_628, %eq3A_769 : i32
      %jit3A_771 = arith.constant 1 : i32
      %select_n3A_772 = arith.select %eq3A_770, %jit3A_771, %add3A_628 : i32
      %rem3A_773 = arith.remsi %add3A_768, %select_n3A_772 : i32
      %ne3A_774 = arith.constant 0 : i32
      %ne3A_775 = arith.cmpi ne, %rem3A_773, %ne3A_774 : i32
      %lt3A_776 = arith.constant 0 : i32
      %lt3A_777 = arith.cmpi slt, %rem3A_773, %lt3A_776 : i32
      %lt3A_778 = arith.constant 0 : i32
      %lt3A_779 = arith.cmpi slt, %select_n3A_772, %lt3A_778 : i32
      %ne3A_780 = arith.xori %lt3A_777, %lt3A_779 : i1
      %and3A_781 = arith.andi %ne3A_780, %ne3A_775 : i1
      %add3A_782 = arith.addi %rem3A_773, %select_n3A_772 : i32
      %select_n3A_783 = arith.select %and3A_781, %add3A_782, %rem3A_773 : i32
      %add3A_784 = arith.addi %add3A_625, %select_n3A : i32
      %gt3A_785 = arith.constant 0 : i32
      %gt3A_786 = arith.cmpi sgt, %select_n3A_783, %gt3A_785 : i32
      %lt3A_787 = arith.cmpi slt, %select_n3A_783, %get3A_8 : i32
      %and3A_788 = arith.andi %gt3A_786, %lt3A_787 : i1
      %jit3A_789 = arith.constant 1 : i32
      %jit3A_790 = arith.constant 0 : i32
      %select_n3A_791 = arith.select %and3A_788, %jit3A_789, %jit3A_790 : i32
      %mul3A_792 = arith.muli %select_n3A, %select_n3A_791 : i32
      %sub3A_793 = arith.subi %get3A_8, %select_n3A_783 : i32
      %add3A_794 = arith.constant 1 : i32
      %add3A_795 = arith.addi %sub3A_793, %add3A_794 : i32
      %jit3A_796 = arith.constant 65536 : i32
      %eq3A_797 = arith.constant 0 : i32
      %eq3A_798 = arith.cmpi eq, %add3A_795, %eq3A_797 : i32
      %jit3A_799 = arith.constant 1 : i32
      %select_n3A_800 = arith.select %eq3A_798, %jit3A_799, %add3A_795 : i32
      %rem3A_801 = arith.remsi %jit3A_796, %select_n3A_800 : i32
      %ne3A_802 = arith.constant 0 : i32
      %ne3A_803 = arith.cmpi ne, %rem3A_801, %ne3A_802 : i32
      %lt3A_804 = arith.constant 0 : i32
      %lt3A_805 = arith.cmpi slt, %rem3A_801, %lt3A_804 : i32
      %lt3A_806 = arith.constant 0 : i32
      %lt3A_807 = arith.cmpi slt, %select_n3A_800, %lt3A_806 : i32
      %ne3A_808 = arith.xori %lt3A_805, %lt3A_807 : i1
      %and3A_809 = arith.andi %ne3A_808, %ne3A_803 : i1
      %add3A_810 = arith.addi %rem3A_801, %select_n3A_800 : i32
      %select_n3A_811 = arith.select %and3A_809, %add3A_810, %rem3A_801 : i32
      %mul3A_812 = arith.muli %select_n3A_811, %select_n3A_811 : i32
      %eq3A_813 = arith.constant 0 : i32
      %eq3A_814 = arith.cmpi eq, %add3A_795, %eq3A_813 : i32
      %jit3A_815 = arith.constant 1 : i32
      %select_n3A_816 = arith.select %eq3A_814, %jit3A_815, %add3A_795 : i32
      %rem3A_817 = arith.remsi %mul3A_812, %select_n3A_816 : i32
      %ne3A_818 = arith.constant 0 : i32
      %ne3A_819 = arith.cmpi ne, %rem3A_817, %ne3A_818 : i32
      %lt3A_820 = arith.constant 0 : i32
      %lt3A_821 = arith.cmpi slt, %rem3A_817, %lt3A_820 : i32
      %lt3A_822 = arith.constant 0 : i32
      %lt3A_823 = arith.cmpi slt, %select_n3A_816, %lt3A_822 : i32
      %ne3A_824 = arith.xori %lt3A_821, %lt3A_823 : i1
      %and3A_825 = arith.andi %ne3A_824, %ne3A_819 : i1
      %add3A_826 = arith.addi %rem3A_817, %select_n3A_816 : i32
      %select_n3A_827 = arith.select %and3A_825, %add3A_826, %rem3A_817 : i32
      %get3A_828 = arith.index_cast %add3A_784 : i32 to index
      %get3A_829 = arith.constant 0 : index
      %get3A_830 = memref.load %arg1[%get3A_828, %get3A_829] : memref<520x4xi32, #tpu.memory_space<smem>>
      %eq3A_831 = arith.constant 0 : i32
      %eq3A_832 = arith.cmpi eq, %add3A_795, %eq3A_831 : i32
      %jit3A_833 = arith.constant 1 : i32
      %select_n3A_834 = arith.select %eq3A_832, %jit3A_833, %add3A_795 : i32
      %rem3A_835 = arith.remsi %get3A_830, %select_n3A_834 : i32
      %ne3A_836 = arith.constant 0 : i32
      %ne3A_837 = arith.cmpi ne, %rem3A_835, %ne3A_836 : i32
      %lt3A_838 = arith.constant 0 : i32
      %lt3A_839 = arith.cmpi slt, %rem3A_835, %lt3A_838 : i32
      %lt3A_840 = arith.constant 0 : i32
      %lt3A_841 = arith.cmpi slt, %select_n3A_834, %lt3A_840 : i32
      %ne3A_842 = arith.xori %lt3A_839, %lt3A_841 : i1
      %and3A_843 = arith.andi %ne3A_842, %ne3A_837 : i1
      %add3A_844 = arith.addi %rem3A_835, %select_n3A_834 : i32
      %select_n3A_845 = arith.select %and3A_843, %add3A_844, %rem3A_835 : i32
      %mul3A_846 = arith.muli %select_n3A_845, %select_n3A_811 : i32
      %get3A_847 = arith.index_cast %add3A_784 : i32 to index
      %get3A_848 = arith.constant 1 : index
      %get3A_849 = memref.load %arg1[%get3A_847, %get3A_848] : memref<520x4xi32, #tpu.memory_space<smem>>
      %eq3A_850 = arith.constant 0 : i32
      %eq3A_851 = arith.cmpi eq, %add3A_795, %eq3A_850 : i32
      %jit3A_852 = arith.constant 1 : i32
      %select_n3A_853 = arith.select %eq3A_851, %jit3A_852, %add3A_795 : i32
      %rem3A_854 = arith.remsi %get3A_849, %select_n3A_853 : i32
      %ne3A_855 = arith.constant 0 : i32
      %ne3A_856 = arith.cmpi ne, %rem3A_854, %ne3A_855 : i32
      %lt3A_857 = arith.constant 0 : i32
      %lt3A_858 = arith.cmpi slt, %rem3A_854, %lt3A_857 : i32
      %lt3A_859 = arith.constant 0 : i32
      %lt3A_860 = arith.cmpi slt, %select_n3A_853, %lt3A_859 : i32
      %ne3A_861 = arith.xori %lt3A_858, %lt3A_860 : i1
      %and3A_862 = arith.andi %ne3A_861, %ne3A_856 : i1
      %add3A_863 = arith.addi %rem3A_854, %select_n3A_853 : i32
      %select_n3A_864 = arith.select %and3A_862, %add3A_863, %rem3A_854 : i32
      %add3A_865 = arith.addi %mul3A_846, %select_n3A_864 : i32
      %eq3A_866 = arith.constant 0 : i32
      %eq3A_867 = arith.cmpi eq, %add3A_795, %eq3A_866 : i32
      %jit3A_868 = arith.constant 1 : i32
      %select_n3A_869 = arith.select %eq3A_867, %jit3A_868, %add3A_795 : i32
      %rem3A_870 = arith.remsi %add3A_865, %select_n3A_869 : i32
      %ne3A_871 = arith.constant 0 : i32
      %ne3A_872 = arith.cmpi ne, %rem3A_870, %ne3A_871 : i32
      %lt3A_873 = arith.constant 0 : i32
      %lt3A_874 = arith.cmpi slt, %rem3A_870, %lt3A_873 : i32
      %lt3A_875 = arith.constant 0 : i32
      %lt3A_876 = arith.cmpi slt, %select_n3A_869, %lt3A_875 : i32
      %ne3A_877 = arith.xori %lt3A_874, %lt3A_876 : i1
      %and3A_878 = arith.andi %ne3A_877, %ne3A_872 : i1
      %add3A_879 = arith.addi %rem3A_870, %select_n3A_869 : i32
      %select_n3A_880 = arith.select %and3A_878, %add3A_879, %rem3A_870 : i32
      %get3A_881 = arith.index_cast %add3A_784 : i32 to index
      %get3A_882 = arith.constant 2 : index
      %get3A_883 = memref.load %arg1[%get3A_881, %get3A_882] : memref<520x4xi32, #tpu.memory_space<smem>>
      %eq3A_884 = arith.constant 0 : i32
      %eq3A_885 = arith.cmpi eq, %add3A_795, %eq3A_884 : i32
      %jit3A_886 = arith.constant 1 : i32
      %select_n3A_887 = arith.select %eq3A_885, %jit3A_886, %add3A_795 : i32
      %rem3A_888 = arith.remsi %get3A_883, %select_n3A_887 : i32
      %ne3A_889 = arith.constant 0 : i32
      %ne3A_890 = arith.cmpi ne, %rem3A_888, %ne3A_889 : i32
      %lt3A_891 = arith.constant 0 : i32
      %lt3A_892 = arith.cmpi slt, %rem3A_888, %lt3A_891 : i32
      %lt3A_893 = arith.constant 0 : i32
      %lt3A_894 = arith.cmpi slt, %select_n3A_887, %lt3A_893 : i32
      %ne3A_895 = arith.xori %lt3A_892, %lt3A_894 : i1
      %and3A_896 = arith.andi %ne3A_895, %ne3A_890 : i1
      %add3A_897 = arith.addi %rem3A_888, %select_n3A_887 : i32
      %select_n3A_898 = arith.select %and3A_896, %add3A_897, %rem3A_888 : i32
      %mul3A_899 = arith.muli %select_n3A_898, %select_n3A_811 : i32
      %get3A_900 = arith.index_cast %add3A_784 : i32 to index
      %get3A_901 = arith.constant 3 : index
      %get3A_902 = memref.load %arg1[%get3A_900, %get3A_901] : memref<520x4xi32, #tpu.memory_space<smem>>
      %eq3A_903 = arith.constant 0 : i32
      %eq3A_904 = arith.cmpi eq, %add3A_795, %eq3A_903 : i32
      %jit3A_905 = arith.constant 1 : i32
      %select_n3A_906 = arith.select %eq3A_904, %jit3A_905, %add3A_795 : i32
      %rem3A_907 = arith.remsi %get3A_902, %select_n3A_906 : i32
      %ne3A_908 = arith.constant 0 : i32
      %ne3A_909 = arith.cmpi ne, %rem3A_907, %ne3A_908 : i32
      %lt3A_910 = arith.constant 0 : i32
      %lt3A_911 = arith.cmpi slt, %rem3A_907, %lt3A_910 : i32
      %lt3A_912 = arith.constant 0 : i32
      %lt3A_913 = arith.cmpi slt, %select_n3A_906, %lt3A_912 : i32
      %ne3A_914 = arith.xori %lt3A_911, %lt3A_913 : i1
      %and3A_915 = arith.andi %ne3A_914, %ne3A_909 : i1
      %add3A_916 = arith.addi %rem3A_907, %select_n3A_906 : i32
      %select_n3A_917 = arith.select %and3A_915, %add3A_916, %rem3A_907 : i32
      %add3A_918 = arith.addi %mul3A_899, %select_n3A_917 : i32
      %eq3A_919 = arith.constant 0 : i32
      %eq3A_920 = arith.cmpi eq, %add3A_795, %eq3A_919 : i32
      %jit3A_921 = arith.constant 1 : i32
      %select_n3A_922 = arith.select %eq3A_920, %jit3A_921, %add3A_795 : i32
      %rem3A_923 = arith.remsi %add3A_918, %select_n3A_922 : i32
      %ne3A_924 = arith.constant 0 : i32
      %ne3A_925 = arith.cmpi ne, %rem3A_923, %ne3A_924 : i32
      %lt3A_926 = arith.constant 0 : i32
      %lt3A_927 = arith.cmpi slt, %rem3A_923, %lt3A_926 : i32
      %lt3A_928 = arith.constant 0 : i32
      %lt3A_929 = arith.cmpi slt, %select_n3A_922, %lt3A_928 : i32
      %ne3A_930 = arith.xori %lt3A_927, %lt3A_929 : i1
      %and3A_931 = arith.andi %ne3A_930, %ne3A_925 : i1
      %add3A_932 = arith.addi %rem3A_923, %select_n3A_922 : i32
      %select_n3A_933 = arith.select %and3A_931, %add3A_932, %rem3A_923 : i32
      %mul3A_934 = arith.muli %select_n3A_880, %select_n3A_827 : i32
      %add3A_935 = arith.addi %mul3A_934, %select_n3A_933 : i32
      %eq3A_936 = arith.constant 0 : i32
      %eq3A_937 = arith.cmpi eq, %add3A_795, %eq3A_936 : i32
      %jit3A_938 = arith.constant 1 : i32
      %select_n3A_939 = arith.select %eq3A_937, %jit3A_938, %add3A_795 : i32
      %rem3A_940 = arith.remsi %add3A_935, %select_n3A_939 : i32
      %ne3A_941 = arith.constant 0 : i32
      %ne3A_942 = arith.cmpi ne, %rem3A_940, %ne3A_941 : i32
      %lt3A_943 = arith.constant 0 : i32
      %lt3A_944 = arith.cmpi slt, %rem3A_940, %lt3A_943 : i32
      %lt3A_945 = arith.constant 0 : i32
      %lt3A_946 = arith.cmpi slt, %select_n3A_939, %lt3A_945 : i32
      %ne3A_947 = arith.xori %lt3A_944, %lt3A_946 : i1
      %and3A_948 = arith.andi %ne3A_947, %ne3A_942 : i1
      %add3A_949 = arith.addi %rem3A_940, %select_n3A_939 : i32
      %select_n3A_950 = arith.select %and3A_948, %add3A_949, %rem3A_940 : i32
      %swap3A_951 = arith.index_cast %scan3A_6 : i32 to index
      %swap3A_952 = arith.constant 6 : index
      %swap3A_953 = memref.load %arg2[%swap3A_951, %swap3A_952] : memref<64x13xi32, #tpu.memory_space<smem>>
      memref.store %select_n3A_950, %arg2[%swap3A_951, %swap3A_952] : memref<64x13xi32, #tpu.memory_space<smem>>
      %swap3A_954 = arith.index_cast %scan3A_6 : i32 to index
      %swap3A_955 = arith.constant 7 : index
      %swap3A_956 = memref.load %arg2[%swap3A_954, %swap3A_955] : memref<64x13xi32, #tpu.memory_space<smem>>
      memref.store %select_n3A_783, %arg2[%swap3A_954, %swap3A_955] : memref<64x13xi32, #tpu.memory_space<smem>>
      %swap3A_957 = arith.index_cast %scan3A_6 : i32 to index
      %swap3A_958 = arith.constant 8 : index
      %swap3A_959 = memref.load %arg2[%swap3A_957, %swap3A_958] : memref<64x13xi32, #tpu.memory_space<smem>>
      memref.store %mul3A_792, %arg2[%swap3A_957, %swap3A_958] : memref<64x13xi32, #tpu.memory_space<smem>>
      %add3A_960 = arith.addi %add3A_784, %mul3A_792 : i32
      %min3A_961 = arith.constant 100 : i32
      %min3A_962 = arith.minsi %min3A_961, %get3A_8 : i32
      %add3A_963 = arith.constant 1 : i32
      %add3A_964 = arith.addi %min3A_962, %add3A_963 : i32
      %jit3A_965 = arith.constant 65536 : i32
      %eq3A_966 = arith.constant 0 : i32
      %eq3A_967 = arith.cmpi eq, %add3A_964, %eq3A_966 : i32
      %jit3A_968 = arith.constant 1 : i32
      %select_n3A_969 = arith.select %eq3A_967, %jit3A_968, %add3A_964 : i32
      %rem3A_970 = arith.remsi %jit3A_965, %select_n3A_969 : i32
      %ne3A_971 = arith.constant 0 : i32
      %ne3A_972 = arith.cmpi ne, %rem3A_970, %ne3A_971 : i32
      %lt3A_973 = arith.constant 0 : i32
      %lt3A_974 = arith.cmpi slt, %rem3A_970, %lt3A_973 : i32
      %lt3A_975 = arith.constant 0 : i32
      %lt3A_976 = arith.cmpi slt, %select_n3A_969, %lt3A_975 : i32
      %ne3A_977 = arith.xori %lt3A_974, %lt3A_976 : i1
      %and3A_978 = arith.andi %ne3A_977, %ne3A_972 : i1
      %add3A_979 = arith.addi %rem3A_970, %select_n3A_969 : i32
      %select_n3A_980 = arith.select %and3A_978, %add3A_979, %rem3A_970 : i32
      %mul3A_981 = arith.muli %select_n3A_980, %select_n3A_980 : i32
      %eq3A_982 = arith.constant 0 : i32
      %eq3A_983 = arith.cmpi eq, %add3A_964, %eq3A_982 : i32
      %jit3A_984 = arith.constant 1 : i32
      %select_n3A_985 = arith.select %eq3A_983, %jit3A_984, %add3A_964 : i32
      %rem3A_986 = arith.remsi %mul3A_981, %select_n3A_985 : i32
      %ne3A_987 = arith.constant 0 : i32
      %ne3A_988 = arith.cmpi ne, %rem3A_986, %ne3A_987 : i32
      %lt3A_989 = arith.constant 0 : i32
      %lt3A_990 = arith.cmpi slt, %rem3A_986, %lt3A_989 : i32
      %lt3A_991 = arith.constant 0 : i32
      %lt3A_992 = arith.cmpi slt, %select_n3A_985, %lt3A_991 : i32
      %ne3A_993 = arith.xori %lt3A_990, %lt3A_992 : i1
      %and3A_994 = arith.andi %ne3A_993, %ne3A_988 : i1
      %add3A_995 = arith.addi %rem3A_986, %select_n3A_985 : i32
      %select_n3A_996 = arith.select %and3A_994, %add3A_995, %rem3A_986 : i32
      %get3A_997 = arith.index_cast %add3A_960 : i32 to index
      %get3A_998 = arith.constant 0 : index
      %get3A_999 = memref.load %arg1[%get3A_997, %get3A_998] : memref<520x4xi32, #tpu.memory_space<smem>>
      %eq3A_1000 = arith.constant 0 : i32
      %eq3A_1001 = arith.cmpi eq, %add3A_964, %eq3A_1000 : i32
      %jit3A_1002 = arith.constant 1 : i32
      %select_n3A_1003 = arith.select %eq3A_1001, %jit3A_1002, %add3A_964 : i32
      %rem3A_1004 = arith.remsi %get3A_999, %select_n3A_1003 : i32
      %ne3A_1005 = arith.constant 0 : i32
      %ne3A_1006 = arith.cmpi ne, %rem3A_1004, %ne3A_1005 : i32
      %lt3A_1007 = arith.constant 0 : i32
      %lt3A_1008 = arith.cmpi slt, %rem3A_1004, %lt3A_1007 : i32
      %lt3A_1009 = arith.constant 0 : i32
      %lt3A_1010 = arith.cmpi slt, %select_n3A_1003, %lt3A_1009 : i32
      %ne3A_1011 = arith.xori %lt3A_1008, %lt3A_1010 : i1
      %and3A_1012 = arith.andi %ne3A_1011, %ne3A_1006 : i1
      %add3A_1013 = arith.addi %rem3A_1004, %select_n3A_1003 : i32
      %select_n3A_1014 = arith.select %and3A_1012, %add3A_1013, %rem3A_1004 : i32
      %mul3A_1015 = arith.muli %select_n3A_1014, %select_n3A_980 : i32
      %get3A_1016 = arith.index_cast %add3A_960 : i32 to index
      %get3A_1017 = arith.constant 1 : index
      %get3A_1018 = memref.load %arg1[%get3A_1016, %get3A_1017] : memref<520x4xi32, #tpu.memory_space<smem>>
      %eq3A_1019 = arith.constant 0 : i32
      %eq3A_1020 = arith.cmpi eq, %add3A_964, %eq3A_1019 : i32
      %jit3A_1021 = arith.constant 1 : i32
      %select_n3A_1022 = arith.select %eq3A_1020, %jit3A_1021, %add3A_964 : i32
      %rem3A_1023 = arith.remsi %get3A_1018, %select_n3A_1022 : i32
      %ne3A_1024 = arith.constant 0 : i32
      %ne3A_1025 = arith.cmpi ne, %rem3A_1023, %ne3A_1024 : i32
      %lt3A_1026 = arith.constant 0 : i32
      %lt3A_1027 = arith.cmpi slt, %rem3A_1023, %lt3A_1026 : i32
      %lt3A_1028 = arith.constant 0 : i32
      %lt3A_1029 = arith.cmpi slt, %select_n3A_1022, %lt3A_1028 : i32
      %ne3A_1030 = arith.xori %lt3A_1027, %lt3A_1029 : i1
      %and3A_1031 = arith.andi %ne3A_1030, %ne3A_1025 : i1
      %add3A_1032 = arith.addi %rem3A_1023, %select_n3A_1022 : i32
      %select_n3A_1033 = arith.select %and3A_1031, %add3A_1032, %rem3A_1023 : i32
      %add3A_1034 = arith.addi %mul3A_1015, %select_n3A_1033 : i32
      %eq3A_1035 = arith.constant 0 : i32
      %eq3A_1036 = arith.cmpi eq, %add3A_964, %eq3A_1035 : i32
      %jit3A_1037 = arith.constant 1 : i32
      %select_n3A_1038 = arith.select %eq3A_1036, %jit3A_1037, %add3A_964 : i32
      %rem3A_1039 = arith.remsi %add3A_1034, %select_n3A_1038 : i32
      %ne3A_1040 = arith.constant 0 : i32
      %ne3A_1041 = arith.cmpi ne, %rem3A_1039, %ne3A_1040 : i32
      %lt3A_1042 = arith.constant 0 : i32
      %lt3A_1043 = arith.cmpi slt, %rem3A_1039, %lt3A_1042 : i32
      %lt3A_1044 = arith.constant 0 : i32
      %lt3A_1045 = arith.cmpi slt, %select_n3A_1038, %lt3A_1044 : i32
      %ne3A_1046 = arith.xori %lt3A_1043, %lt3A_1045 : i1
      %and3A_1047 = arith.andi %ne3A_1046, %ne3A_1041 : i1
      %add3A_1048 = arith.addi %rem3A_1039, %select_n3A_1038 : i32
      %select_n3A_1049 = arith.select %and3A_1047, %add3A_1048, %rem3A_1039 : i32
      %get3A_1050 = arith.index_cast %add3A_960 : i32 to index
      %get3A_1051 = arith.constant 2 : index
      %get3A_1052 = memref.load %arg1[%get3A_1050, %get3A_1051] : memref<520x4xi32, #tpu.memory_space<smem>>
      %eq3A_1053 = arith.constant 0 : i32
      %eq3A_1054 = arith.cmpi eq, %add3A_964, %eq3A_1053 : i32
      %jit3A_1055 = arith.constant 1 : i32
      %select_n3A_1056 = arith.select %eq3A_1054, %jit3A_1055, %add3A_964 : i32
      %rem3A_1057 = arith.remsi %get3A_1052, %select_n3A_1056 : i32
      %ne3A_1058 = arith.constant 0 : i32
      %ne3A_1059 = arith.cmpi ne, %rem3A_1057, %ne3A_1058 : i32
      %lt3A_1060 = arith.constant 0 : i32
      %lt3A_1061 = arith.cmpi slt, %rem3A_1057, %lt3A_1060 : i32
      %lt3A_1062 = arith.constant 0 : i32
      %lt3A_1063 = arith.cmpi slt, %select_n3A_1056, %lt3A_1062 : i32
      %ne3A_1064 = arith.xori %lt3A_1061, %lt3A_1063 : i1
      %and3A_1065 = arith.andi %ne3A_1064, %ne3A_1059 : i1
      %add3A_1066 = arith.addi %rem3A_1057, %select_n3A_1056 : i32
      %select_n3A_1067 = arith.select %and3A_1065, %add3A_1066, %rem3A_1057 : i32
      %mul3A_1068 = arith.muli %select_n3A_1067, %select_n3A_980 : i32
      %get3A_1069 = arith.index_cast %add3A_960 : i32 to index
      %get3A_1070 = arith.constant 3 : index
      %get3A_1071 = memref.load %arg1[%get3A_1069, %get3A_1070] : memref<520x4xi32, #tpu.memory_space<smem>>
      %eq3A_1072 = arith.constant 0 : i32
      %eq3A_1073 = arith.cmpi eq, %add3A_964, %eq3A_1072 : i32
      %jit3A_1074 = arith.constant 1 : i32
      %select_n3A_1075 = arith.select %eq3A_1073, %jit3A_1074, %add3A_964 : i32
      %rem3A_1076 = arith.remsi %get3A_1071, %select_n3A_1075 : i32
      %ne3A_1077 = arith.constant 0 : i32
      %ne3A_1078 = arith.cmpi ne, %rem3A_1076, %ne3A_1077 : i32
      %lt3A_1079 = arith.constant 0 : i32
      %lt3A_1080 = arith.cmpi slt, %rem3A_1076, %lt3A_1079 : i32
      %lt3A_1081 = arith.constant 0 : i32
      %lt3A_1082 = arith.cmpi slt, %select_n3A_1075, %lt3A_1081 : i32
      %ne3A_1083 = arith.xori %lt3A_1080, %lt3A_1082 : i1
      %and3A_1084 = arith.andi %ne3A_1083, %ne3A_1078 : i1
      %add3A_1085 = arith.addi %rem3A_1076, %select_n3A_1075 : i32
      %select_n3A_1086 = arith.select %and3A_1084, %add3A_1085, %rem3A_1076 : i32
      %add3A_1087 = arith.addi %mul3A_1068, %select_n3A_1086 : i32
      %eq3A_1088 = arith.constant 0 : i32
      %eq3A_1089 = arith.cmpi eq, %add3A_964, %eq3A_1088 : i32
      %jit3A_1090 = arith.constant 1 : i32
      %select_n3A_1091 = arith.select %eq3A_1089, %jit3A_1090, %add3A_964 : i32
      %rem3A_1092 = arith.remsi %add3A_1087, %select_n3A_1091 : i32
      %ne3A_1093 = arith.constant 0 : i32
      %ne3A_1094 = arith.cmpi ne, %rem3A_1092, %ne3A_1093 : i32
      %lt3A_1095 = arith.constant 0 : i32
      %lt3A_1096 = arith.cmpi slt, %rem3A_1092, %lt3A_1095 : i32
      %lt3A_1097 = arith.constant 0 : i32
      %lt3A_1098 = arith.cmpi slt, %select_n3A_1091, %lt3A_1097 : i32
      %ne3A_1099 = arith.xori %lt3A_1096, %lt3A_1098 : i1
      %and3A_1100 = arith.andi %ne3A_1099, %ne3A_1094 : i1
      %add3A_1101 = arith.addi %rem3A_1092, %select_n3A_1091 : i32
      %select_n3A_1102 = arith.select %and3A_1100, %add3A_1101, %rem3A_1092 : i32
      %mul3A_1103 = arith.muli %select_n3A_1049, %select_n3A_996 : i32
      %add3A_1104 = arith.addi %mul3A_1103, %select_n3A_1102 : i32
      %eq3A_1105 = arith.constant 0 : i32
      %eq3A_1106 = arith.cmpi eq, %add3A_964, %eq3A_1105 : i32
      %jit3A_1107 = arith.constant 1 : i32
      %select_n3A_1108 = arith.select %eq3A_1106, %jit3A_1107, %add3A_964 : i32
      %rem3A_1109 = arith.remsi %add3A_1104, %select_n3A_1108 : i32
      %ne3A_1110 = arith.constant 0 : i32
      %ne3A_1111 = arith.cmpi ne, %rem3A_1109, %ne3A_1110 : i32
      %lt3A_1112 = arith.constant 0 : i32
      %lt3A_1113 = arith.cmpi slt, %rem3A_1109, %lt3A_1112 : i32
      %lt3A_1114 = arith.constant 0 : i32
      %lt3A_1115 = arith.cmpi slt, %select_n3A_1108, %lt3A_1114 : i32
      %ne3A_1116 = arith.xori %lt3A_1113, %lt3A_1115 : i1
      %and3A_1117 = arith.andi %ne3A_1116, %ne3A_1111 : i1
      %add3A_1118 = arith.addi %rem3A_1109, %select_n3A_1108 : i32
      %select_n3A_1119 = arith.select %and3A_1117, %add3A_1118, %rem3A_1109 : i32
      %add3A_1120 = arith.addi %add3A_960, %select_n3A : i32
      %gt3A_1121 = arith.constant 0 : i32
      %gt3A_1122 = arith.cmpi sgt, %select_n3A_1119, %gt3A_1121 : i32
      %lt3A_1123 = arith.cmpi slt, %select_n3A_1119, %get3A_8 : i32
      %and3A_1124 = arith.andi %gt3A_1122, %lt3A_1123 : i1
      %jit3A_1125 = arith.constant 1 : i32
      %jit3A_1126 = arith.constant 0 : i32
      %select_n3A_1127 = arith.select %and3A_1124, %jit3A_1125, %jit3A_1126 : i32
      %mul3A_1128 = arith.muli %select_n3A, %select_n3A_1127 : i32
      %sub3A_1129 = arith.subi %get3A_8, %select_n3A_1119 : i32
      %add3A_1130 = arith.constant 1 : i32
      %add3A_1131 = arith.addi %sub3A_1129, %add3A_1130 : i32
      %jit3A_1132 = arith.constant 65536 : i32
      %eq3A_1133 = arith.constant 0 : i32
      %eq3A_1134 = arith.cmpi eq, %add3A_1131, %eq3A_1133 : i32
      %jit3A_1135 = arith.constant 1 : i32
      %select_n3A_1136 = arith.select %eq3A_1134, %jit3A_1135, %add3A_1131 : i32
      %rem3A_1137 = arith.remsi %jit3A_1132, %select_n3A_1136 : i32
      %ne3A_1138 = arith.constant 0 : i32
      %ne3A_1139 = arith.cmpi ne, %rem3A_1137, %ne3A_1138 : i32
      %lt3A_1140 = arith.constant 0 : i32
      %lt3A_1141 = arith.cmpi slt, %rem3A_1137, %lt3A_1140 : i32
      %lt3A_1142 = arith.constant 0 : i32
      %lt3A_1143 = arith.cmpi slt, %select_n3A_1136, %lt3A_1142 : i32
      %ne3A_1144 = arith.xori %lt3A_1141, %lt3A_1143 : i1
      %and3A_1145 = arith.andi %ne3A_1144, %ne3A_1139 : i1
      %add3A_1146 = arith.addi %rem3A_1137, %select_n3A_1136 : i32
      %select_n3A_1147 = arith.select %and3A_1145, %add3A_1146, %rem3A_1137 : i32
      %mul3A_1148 = arith.muli %select_n3A_1147, %select_n3A_1147 : i32
      %eq3A_1149 = arith.constant 0 : i32
      %eq3A_1150 = arith.cmpi eq, %add3A_1131, %eq3A_1149 : i32
      %jit3A_1151 = arith.constant 1 : i32
      %select_n3A_1152 = arith.select %eq3A_1150, %jit3A_1151, %add3A_1131 : i32
      %rem3A_1153 = arith.remsi %mul3A_1148, %select_n3A_1152 : i32
      %ne3A_1154 = arith.constant 0 : i32
      %ne3A_1155 = arith.cmpi ne, %rem3A_1153, %ne3A_1154 : i32
      %lt3A_1156 = arith.constant 0 : i32
      %lt3A_1157 = arith.cmpi slt, %rem3A_1153, %lt3A_1156 : i32
      %lt3A_1158 = arith.constant 0 : i32
      %lt3A_1159 = arith.cmpi slt, %select_n3A_1152, %lt3A_1158 : i32
      %ne3A_1160 = arith.xori %lt3A_1157, %lt3A_1159 : i1
      %and3A_1161 = arith.andi %ne3A_1160, %ne3A_1155 : i1
      %add3A_1162 = arith.addi %rem3A_1153, %select_n3A_1152 : i32
      %select_n3A_1163 = arith.select %and3A_1161, %add3A_1162, %rem3A_1153 : i32
      %get3A_1164 = arith.index_cast %add3A_1120 : i32 to index
      %get3A_1165 = arith.constant 0 : index
      %get3A_1166 = memref.load %arg1[%get3A_1164, %get3A_1165] : memref<520x4xi32, #tpu.memory_space<smem>>
      %eq3A_1167 = arith.constant 0 : i32
      %eq3A_1168 = arith.cmpi eq, %add3A_1131, %eq3A_1167 : i32
      %jit3A_1169 = arith.constant 1 : i32
      %select_n3A_1170 = arith.select %eq3A_1168, %jit3A_1169, %add3A_1131 : i32
      %rem3A_1171 = arith.remsi %get3A_1166, %select_n3A_1170 : i32
      %ne3A_1172 = arith.constant 0 : i32
      %ne3A_1173 = arith.cmpi ne, %rem3A_1171, %ne3A_1172 : i32
      %lt3A_1174 = arith.constant 0 : i32
      %lt3A_1175 = arith.cmpi slt, %rem3A_1171, %lt3A_1174 : i32
      %lt3A_1176 = arith.constant 0 : i32
      %lt3A_1177 = arith.cmpi slt, %select_n3A_1170, %lt3A_1176 : i32
      %ne3A_1178 = arith.xori %lt3A_1175, %lt3A_1177 : i1
      %and3A_1179 = arith.andi %ne3A_1178, %ne3A_1173 : i1
      %add3A_1180 = arith.addi %rem3A_1171, %select_n3A_1170 : i32
      %select_n3A_1181 = arith.select %and3A_1179, %add3A_1180, %rem3A_1171 : i32
      %mul3A_1182 = arith.muli %select_n3A_1181, %select_n3A_1147 : i32
      %get3A_1183 = arith.index_cast %add3A_1120 : i32 to index
      %get3A_1184 = arith.constant 1 : index
      %get3A_1185 = memref.load %arg1[%get3A_1183, %get3A_1184] : memref<520x4xi32, #tpu.memory_space<smem>>
      %eq3A_1186 = arith.constant 0 : i32
      %eq3A_1187 = arith.cmpi eq, %add3A_1131, %eq3A_1186 : i32
      %jit3A_1188 = arith.constant 1 : i32
      %select_n3A_1189 = arith.select %eq3A_1187, %jit3A_1188, %add3A_1131 : i32
      %rem3A_1190 = arith.remsi %get3A_1185, %select_n3A_1189 : i32
      %ne3A_1191 = arith.constant 0 : i32
      %ne3A_1192 = arith.cmpi ne, %rem3A_1190, %ne3A_1191 : i32
      %lt3A_1193 = arith.constant 0 : i32
      %lt3A_1194 = arith.cmpi slt, %rem3A_1190, %lt3A_1193 : i32
      %lt3A_1195 = arith.constant 0 : i32
      %lt3A_1196 = arith.cmpi slt, %select_n3A_1189, %lt3A_1195 : i32
      %ne3A_1197 = arith.xori %lt3A_1194, %lt3A_1196 : i1
      %and3A_1198 = arith.andi %ne3A_1197, %ne3A_1192 : i1
      %add3A_1199 = arith.addi %rem3A_1190, %select_n3A_1189 : i32
      %select_n3A_1200 = arith.select %and3A_1198, %add3A_1199, %rem3A_1190 : i32
      %add3A_1201 = arith.addi %mul3A_1182, %select_n3A_1200 : i32
      %eq3A_1202 = arith.constant 0 : i32
      %eq3A_1203 = arith.cmpi eq, %add3A_1131, %eq3A_1202 : i32
      %jit3A_1204 = arith.constant 1 : i32
      %select_n3A_1205 = arith.select %eq3A_1203, %jit3A_1204, %add3A_1131 : i32
      %rem3A_1206 = arith.remsi %add3A_1201, %select_n3A_1205 : i32
      %ne3A_1207 = arith.constant 0 : i32
      %ne3A_1208 = arith.cmpi ne, %rem3A_1206, %ne3A_1207 : i32
      %lt3A_1209 = arith.constant 0 : i32
      %lt3A_1210 = arith.cmpi slt, %rem3A_1206, %lt3A_1209 : i32
      %lt3A_1211 = arith.constant 0 : i32
      %lt3A_1212 = arith.cmpi slt, %select_n3A_1205, %lt3A_1211 : i32
      %ne3A_1213 = arith.xori %lt3A_1210, %lt3A_1212 : i1
      %and3A_1214 = arith.andi %ne3A_1213, %ne3A_1208 : i1
      %add3A_1215 = arith.addi %rem3A_1206, %select_n3A_1205 : i32
      %select_n3A_1216 = arith.select %and3A_1214, %add3A_1215, %rem3A_1206 : i32
      %get3A_1217 = arith.index_cast %add3A_1120 : i32 to index
      %get3A_1218 = arith.constant 2 : index
      %get3A_1219 = memref.load %arg1[%get3A_1217, %get3A_1218] : memref<520x4xi32, #tpu.memory_space<smem>>
      %eq3A_1220 = arith.constant 0 : i32
      %eq3A_1221 = arith.cmpi eq, %add3A_1131, %eq3A_1220 : i32
      %jit3A_1222 = arith.constant 1 : i32
      %select_n3A_1223 = arith.select %eq3A_1221, %jit3A_1222, %add3A_1131 : i32
      %rem3A_1224 = arith.remsi %get3A_1219, %select_n3A_1223 : i32
      %ne3A_1225 = arith.constant 0 : i32
      %ne3A_1226 = arith.cmpi ne, %rem3A_1224, %ne3A_1225 : i32
      %lt3A_1227 = arith.constant 0 : i32
      %lt3A_1228 = arith.cmpi slt, %rem3A_1224, %lt3A_1227 : i32
      %lt3A_1229 = arith.constant 0 : i32
      %lt3A_1230 = arith.cmpi slt, %select_n3A_1223, %lt3A_1229 : i32
      %ne3A_1231 = arith.xori %lt3A_1228, %lt3A_1230 : i1
      %and3A_1232 = arith.andi %ne3A_1231, %ne3A_1226 : i1
      %add3A_1233 = arith.addi %rem3A_1224, %select_n3A_1223 : i32
      %select_n3A_1234 = arith.select %and3A_1232, %add3A_1233, %rem3A_1224 : i32
      %mul3A_1235 = arith.muli %select_n3A_1234, %select_n3A_1147 : i32
      %get3A_1236 = arith.index_cast %add3A_1120 : i32 to index
      %get3A_1237 = arith.constant 3 : index
      %get3A_1238 = memref.load %arg1[%get3A_1236, %get3A_1237] : memref<520x4xi32, #tpu.memory_space<smem>>
      %eq3A_1239 = arith.constant 0 : i32
      %eq3A_1240 = arith.cmpi eq, %add3A_1131, %eq3A_1239 : i32
      %jit3A_1241 = arith.constant 1 : i32
      %select_n3A_1242 = arith.select %eq3A_1240, %jit3A_1241, %add3A_1131 : i32
      %rem3A_1243 = arith.remsi %get3A_1238, %select_n3A_1242 : i32
      %ne3A_1244 = arith.constant 0 : i32
      %ne3A_1245 = arith.cmpi ne, %rem3A_1243, %ne3A_1244 : i32
      %lt3A_1246 = arith.constant 0 : i32
      %lt3A_1247 = arith.cmpi slt, %rem3A_1243, %lt3A_1246 : i32
      %lt3A_1248 = arith.constant 0 : i32
      %lt3A_1249 = arith.cmpi slt, %select_n3A_1242, %lt3A_1248 : i32
      %ne3A_1250 = arith.xori %lt3A_1247, %lt3A_1249 : i1
      %and3A_1251 = arith.andi %ne3A_1250, %ne3A_1245 : i1
      %add3A_1252 = arith.addi %rem3A_1243, %select_n3A_1242 : i32
      %select_n3A_1253 = arith.select %and3A_1251, %add3A_1252, %rem3A_1243 : i32
      %add3A_1254 = arith.addi %mul3A_1235, %select_n3A_1253 : i32
      %eq3A_1255 = arith.constant 0 : i32
      %eq3A_1256 = arith.cmpi eq, %add3A_1131, %eq3A_1255 : i32
      %jit3A_1257 = arith.constant 1 : i32
      %select_n3A_1258 = arith.select %eq3A_1256, %jit3A_1257, %add3A_1131 : i32
      %rem3A_1259 = arith.remsi %add3A_1254, %select_n3A_1258 : i32
      %ne3A_1260 = arith.constant 0 : i32
      %ne3A_1261 = arith.cmpi ne, %rem3A_1259, %ne3A_1260 : i32
      %lt3A_1262 = arith.constant 0 : i32
      %lt3A_1263 = arith.cmpi slt, %rem3A_1259, %lt3A_1262 : i32
      %lt3A_1264 = arith.constant 0 : i32
      %lt3A_1265 = arith.cmpi slt, %select_n3A_1258, %lt3A_1264 : i32
      %ne3A_1266 = arith.xori %lt3A_1263, %lt3A_1265 : i1
      %and3A_1267 = arith.andi %ne3A_1266, %ne3A_1261 : i1
      %add3A_1268 = arith.addi %rem3A_1259, %select_n3A_1258 : i32
      %select_n3A_1269 = arith.select %and3A_1267, %add3A_1268, %rem3A_1259 : i32
      %mul3A_1270 = arith.muli %select_n3A_1216, %select_n3A_1163 : i32
      %add3A_1271 = arith.addi %mul3A_1270, %select_n3A_1269 : i32
      %eq3A_1272 = arith.constant 0 : i32
      %eq3A_1273 = arith.cmpi eq, %add3A_1131, %eq3A_1272 : i32
      %jit3A_1274 = arith.constant 1 : i32
      %select_n3A_1275 = arith.select %eq3A_1273, %jit3A_1274, %add3A_1131 : i32
      %rem3A_1276 = arith.remsi %add3A_1271, %select_n3A_1275 : i32
      %ne3A_1277 = arith.constant 0 : i32
      %ne3A_1278 = arith.cmpi ne, %rem3A_1276, %ne3A_1277 : i32
      %lt3A_1279 = arith.constant 0 : i32
      %lt3A_1280 = arith.cmpi slt, %rem3A_1276, %lt3A_1279 : i32
      %lt3A_1281 = arith.constant 0 : i32
      %lt3A_1282 = arith.cmpi slt, %select_n3A_1275, %lt3A_1281 : i32
      %ne3A_1283 = arith.xori %lt3A_1280, %lt3A_1282 : i1
      %and3A_1284 = arith.andi %ne3A_1283, %ne3A_1278 : i1
      %add3A_1285 = arith.addi %rem3A_1276, %select_n3A_1275 : i32
      %select_n3A_1286 = arith.select %and3A_1284, %add3A_1285, %rem3A_1276 : i32
      %swap3A_1287 = arith.index_cast %scan3A_6 : i32 to index
      %swap3A_1288 = arith.constant 9 : index
      %swap3A_1289 = memref.load %arg2[%swap3A_1287, %swap3A_1288] : memref<64x13xi32, #tpu.memory_space<smem>>
      memref.store %select_n3A_1286, %arg2[%swap3A_1287, %swap3A_1288] : memref<64x13xi32, #tpu.memory_space<smem>>
      %swap3A_1290 = arith.index_cast %scan3A_6 : i32 to index
      %swap3A_1291 = arith.constant 10 : index
      %swap3A_1292 = memref.load %arg2[%swap3A_1290, %swap3A_1291] : memref<64x13xi32, #tpu.memory_space<smem>>
      memref.store %select_n3A_1119, %arg2[%swap3A_1290, %swap3A_1291] : memref<64x13xi32, #tpu.memory_space<smem>>
      %swap3A_1293 = arith.index_cast %scan3A_6 : i32 to index
      %swap3A_1294 = arith.constant 11 : index
      %swap3A_1295 = memref.load %arg2[%swap3A_1293, %swap3A_1294] : memref<64x13xi32, #tpu.memory_space<smem>>
      memref.store %mul3A_1128, %arg2[%swap3A_1293, %swap3A_1294] : memref<64x13xi32, #tpu.memory_space<smem>>
      %add3A_1296 = arith.addi %add3A_1120, %mul3A_1128 : i32
      %swap3A_1297 = arith.index_cast %scan3A_6 : i32 to index
      %swap3A_1298 = arith.constant 12 : index
      %swap3A_1299 = memref.load %arg2[%swap3A_1297, %swap3A_1298] : memref<64x13xi32, #tpu.memory_space<smem>>
      memref.store %get3A_8, %arg2[%swap3A_1297, %swap3A_1298] : memref<64x13xi32, #tpu.memory_space<smem>>
      scf.yield %add3A_1296 : i32
    }
    %scan3A_5 = arith.constant 64 : i32
    return
  }
}

module attributes {stable_mosaic.version = 14 : i64} {
  func.func @_apply_body(%arg0: i32, %arg1: memref<64x13xi32, #tpu.memory_space<smem>>, %arg2: memref<1x375x640xf32, #tpu.memory_space<vmem>>, %arg3: memref<1x375x640xf32, #tpu.memory_space<vmem>>) attributes {dimension_semantics = [#tpu.dimension_semantics<parallel>], iteration_bounds = array<i64: 64>, scalar_prefetch = 0 : i64, scratch_operands = 0 : i64, tpu.core_type = #tpu.core_type<tc>, window_params = [{transform_indices = @transform_0, window_bounds = array<i64: 64, 13>}, {transform_indices = @transform_1, window_bounds = array<i64: 1, 375, 640>}, {transform_indices = @transform_2, window_bounds = array<i64: 1, 375, 640>}]} {
    %get3A = arith.index_cast %arg0 : i32 to index
    %get3A_0 = arith.constant 0 : index
    %get3A_1 = memref.load %arg1[%get3A, %get3A_0] : memref<64x13xi32, #tpu.memory_space<smem>>
    %get3A_2 = arith.index_cast %arg0 : i32 to index
    %get3A_3 = arith.constant 1 : index
    %get3A_4 = memref.load %arg1[%get3A_2, %get3A_3] : memref<64x13xi32, #tpu.memory_space<smem>>
    %get3A_5 = arith.index_cast %arg0 : i32 to index
    %get3A_6 = arith.constant 2 : index
    %get3A_7 = memref.load %arg1[%get3A_5, %get3A_6] : memref<64x13xi32, #tpu.memory_space<smem>>
    %get3A_8 = arith.index_cast %arg0 : i32 to index
    %get3A_9 = arith.constant 3 : index
    %get3A_10 = memref.load %arg1[%get3A_8, %get3A_9] : memref<64x13xi32, #tpu.memory_space<smem>>
    %get3A_11 = arith.index_cast %arg0 : i32 to index
    %get3A_12 = arith.constant 4 : index
    %get3A_13 = memref.load %arg1[%get3A_11, %get3A_12] : memref<64x13xi32, #tpu.memory_space<smem>>
    %get3A_14 = arith.index_cast %arg0 : i32 to index
    %get3A_15 = arith.constant 5 : index
    %get3A_16 = memref.load %arg1[%get3A_14, %get3A_15] : memref<64x13xi32, #tpu.memory_space<smem>>
    %get3A_17 = arith.index_cast %arg0 : i32 to index
    %get3A_18 = arith.constant 6 : index
    %get3A_19 = memref.load %arg1[%get3A_17, %get3A_18] : memref<64x13xi32, #tpu.memory_space<smem>>
    %get3A_20 = arith.index_cast %arg0 : i32 to index
    %get3A_21 = arith.constant 7 : index
    %get3A_22 = memref.load %arg1[%get3A_20, %get3A_21] : memref<64x13xi32, #tpu.memory_space<smem>>
    %get3A_23 = arith.index_cast %arg0 : i32 to index
    %get3A_24 = arith.constant 8 : index
    %get3A_25 = memref.load %arg1[%get3A_23, %get3A_24] : memref<64x13xi32, #tpu.memory_space<smem>>
    %get3A_26 = arith.index_cast %arg0 : i32 to index
    %get3A_27 = arith.constant 9 : index
    %get3A_28 = memref.load %arg1[%get3A_26, %get3A_27] : memref<64x13xi32, #tpu.memory_space<smem>>
    %get3A_29 = arith.index_cast %arg0 : i32 to index
    %get3A_30 = arith.constant 10 : index
    %get3A_31 = memref.load %arg1[%get3A_29, %get3A_30] : memref<64x13xi32, #tpu.memory_space<smem>>
    %get3A_32 = arith.index_cast %arg0 : i32 to index
    %get3A_33 = arith.constant 11 : index
    %get3A_34 = memref.load %arg1[%get3A_32, %get3A_33] : memref<64x13xi32, #tpu.memory_space<smem>>
    %get3A_35 = arith.index_cast %arg0 : i32 to index
    %get3A_36 = arith.constant 12 : index
    %get3A_37 = memref.load %arg1[%get3A_35, %get3A_36] : memref<64x13xi32, #tpu.memory_space<smem>>
    %iota3A = tpu.iota {dimensions = array<i32: 0>} : vector<375x640xi32>
    %iota3A_38 = tpu.iota {dimensions = array<i32: 1>} : vector<375x640xi32>
    %broadcast_in_dim3A = arith.constant 0 : i32
    %broadcast_in_dim3A_39 = vector.broadcast %broadcast_in_dim3A : i32 to vector<375x640xi32>
    %ge3A = arith.constant 80 : i32
    %ge3A_40 = vector.broadcast %ge3A : i32 to vector<375x640xi32>
    %ge3A_41 = arith.cmpi sge, %iota3A_38, %ge3A_40 : vector<375x640xi32>
    %convert_element_type3A = arith.extui %ge3A_41 : vector<375x640xi1> to vector<375x640xi32>
    %add3A = arith.addi %broadcast_in_dim3A_39, %convert_element_type3A : vector<375x640xi32>
    %ge3A_42 = arith.constant 160 : i32
    %ge3A_43 = vector.broadcast %ge3A_42 : i32 to vector<375x640xi32>
    %ge3A_44 = arith.cmpi sge, %iota3A_38, %ge3A_43 : vector<375x640xi32>
    %convert_element_type3A_45 = arith.extui %ge3A_44 : vector<375x640xi1> to vector<375x640xi32>
    %add3A_46 = arith.addi %add3A, %convert_element_type3A_45 : vector<375x640xi32>
    %ge3A_47 = arith.constant 240 : i32
    %ge3A_48 = vector.broadcast %ge3A_47 : i32 to vector<375x640xi32>
    %ge3A_49 = arith.cmpi sge, %iota3A_38, %ge3A_48 : vector<375x640xi32>
    %convert_element_type3A_50 = arith.extui %ge3A_49 : vector<375x640xi1> to vector<375x640xi32>
    %add3A_51 = arith.addi %add3A_46, %convert_element_type3A_50 : vector<375x640xi32>
    %ge3A_52 = arith.constant 320 : i32
    %ge3A_53 = vector.broadcast %ge3A_52 : i32 to vector<375x640xi32>
    %ge3A_54 = arith.cmpi sge, %iota3A_38, %ge3A_53 : vector<375x640xi32>
    %convert_element_type3A_55 = arith.extui %ge3A_54 : vector<375x640xi1> to vector<375x640xi32>
    %add3A_56 = arith.addi %add3A_51, %convert_element_type3A_55 : vector<375x640xi32>
    %ge3A_57 = arith.constant 400 : i32
    %ge3A_58 = vector.broadcast %ge3A_57 : i32 to vector<375x640xi32>
    %ge3A_59 = arith.cmpi sge, %iota3A_38, %ge3A_58 : vector<375x640xi32>
    %convert_element_type3A_60 = arith.extui %ge3A_59 : vector<375x640xi1> to vector<375x640xi32>
    %add3A_61 = arith.addi %add3A_56, %convert_element_type3A_60 : vector<375x640xi32>
    %ge3A_62 = arith.constant 480 : i32
    %ge3A_63 = vector.broadcast %ge3A_62 : i32 to vector<375x640xi32>
    %ge3A_64 = arith.cmpi sge, %iota3A_38, %ge3A_63 : vector<375x640xi32>
    %convert_element_type3A_65 = arith.extui %ge3A_64 : vector<375x640xi1> to vector<375x640xi32>
    %add3A_66 = arith.addi %add3A_61, %convert_element_type3A_65 : vector<375x640xi32>
    %ge3A_67 = arith.constant 560 : i32
    %ge3A_68 = vector.broadcast %ge3A_67 : i32 to vector<375x640xi32>
    %ge3A_69 = arith.cmpi sge, %iota3A_38, %ge3A_68 : vector<375x640xi32>
    %convert_element_type3A_70 = arith.extui %ge3A_69 : vector<375x640xi1> to vector<375x640xi32>
    %add3A_71 = arith.addi %add3A_66, %convert_element_type3A_70 : vector<375x640xi32>
    %mul3A = arith.constant 8 : i32
    %mul3A_72 = vector.broadcast %mul3A : i32 to vector<375x640xi32>
    %mul3A_73 = arith.muli %iota3A, %mul3A_72 : vector<375x640xi32>
    %add3A_74 = arith.addi %mul3A_73, %add3A_71 : vector<375x640xi32>
    %mul3A_75 = arith.constant 80 : i32
    %mul3A_76 = vector.broadcast %mul3A_75 : i32 to vector<375x640xi32>
    %mul3A_77 = arith.muli %add3A_71, %mul3A_76 : vector<375x640xi32>
    %sub3A = arith.subi %iota3A_38, %mul3A_77 : vector<375x640xi32>
    %gt3A = arith.constant 0 : i32
    %gt3A_78 = arith.cmpi sgt, %get3A_7, %gt3A : i32
    %ge3A_79 = vector.broadcast %get3A_1 : i32 to vector<375x640xi32>
    %ge3A_80 = arith.cmpi sge, %sub3A, %ge3A_79 : vector<375x640xi32>
    %and3A = vector.broadcast %gt3A_78 : i1 to vector<375x640xi1>
    %and3A_81 = arith.andi %and3A, %ge3A_80 : vector<375x640xi1>
    %add3A_82 = arith.addi %get3A_1, %get3A_4 : i32
    %lt3A = vector.broadcast %add3A_82 : i32 to vector<375x640xi32>
    %lt3A_83 = arith.cmpi slt, %sub3A, %lt3A : vector<375x640xi32>
    %and3A_84 = arith.andi %and3A_81, %lt3A_83 : vector<375x640xi1>
    %gt3A_85 = arith.constant 0 : i32
    %gt3A_86 = arith.cmpi sgt, %get3A_16, %gt3A_85 : i32
    %ge3A_87 = vector.broadcast %get3A_10 : i32 to vector<375x640xi32>
    %ge3A_88 = arith.cmpi sge, %sub3A, %ge3A_87 : vector<375x640xi32>
    %and3A_89 = vector.broadcast %gt3A_86 : i1 to vector<375x640xi1>
    %and3A_90 = arith.andi %and3A_89, %ge3A_88 : vector<375x640xi1>
    %add3A_91 = arith.addi %get3A_10, %get3A_13 : i32
    %lt3A_92 = vector.broadcast %add3A_91 : i32 to vector<375x640xi32>
    %lt3A_93 = arith.cmpi slt, %sub3A, %lt3A_92 : vector<375x640xi32>
    %and3A_94 = arith.andi %and3A_90, %lt3A_93 : vector<375x640xi1>
    %or3A = arith.ori %and3A_84, %and3A_94 : vector<375x640xi1>
    %lt3A_95 = vector.broadcast %get3A_37 : i32 to vector<375x640xi32>
    %lt3A_96 = arith.cmpi slt, %add3A_74, %lt3A_95 : vector<375x640xi32>
    %and3A_97 = arith.andi %or3A, %lt3A_96 : vector<375x640xi1>
    %gt3A_98 = arith.constant 0 : i32
    %gt3A_99 = arith.cmpi sgt, %get3A_25, %gt3A_98 : i32
    %ge3A_100 = vector.broadcast %get3A_19 : i32 to vector<375x640xi32>
    %ge3A_101 = arith.cmpi sge, %add3A_74, %ge3A_100 : vector<375x640xi32>
    %and3A_102 = vector.broadcast %gt3A_99 : i1 to vector<375x640xi1>
    %and3A_103 = arith.andi %and3A_102, %ge3A_101 : vector<375x640xi1>
    %add3A_104 = arith.addi %get3A_19, %get3A_22 : i32
    %lt3A_105 = vector.broadcast %add3A_104 : i32 to vector<375x640xi32>
    %lt3A_106 = arith.cmpi slt, %add3A_74, %lt3A_105 : vector<375x640xi32>
    %and3A_107 = arith.andi %and3A_103, %lt3A_106 : vector<375x640xi1>
    %gt3A_108 = arith.constant 0 : i32
    %gt3A_109 = arith.cmpi sgt, %get3A_34, %gt3A_108 : i32
    %ge3A_110 = vector.broadcast %get3A_28 : i32 to vector<375x640xi32>
    %ge3A_111 = arith.cmpi sge, %add3A_74, %ge3A_110 : vector<375x640xi32>
    %and3A_112 = vector.broadcast %gt3A_109 : i1 to vector<375x640xi1>
    %and3A_113 = arith.andi %and3A_112, %ge3A_111 : vector<375x640xi1>
    %add3A_114 = arith.addi %get3A_28, %get3A_31 : i32
    %lt3A_115 = vector.broadcast %add3A_114 : i32 to vector<375x640xi32>
    %lt3A_116 = arith.cmpi slt, %add3A_74, %lt3A_115 : vector<375x640xi32>
    %and3A_117 = arith.andi %and3A_113, %lt3A_116 : vector<375x640xi1>
    %or3A_118 = arith.ori %and3A_107, %and3A_117 : vector<375x640xi1>
    %or3A_119 = arith.ori %and3A_97, %or3A_118 : vector<375x640xi1>
    %get3A_120 = arith.constant 0 : index
    %get3A_121 = arith.constant 0 : index
    %get3A_122 = arith.constant 0 : index
    %get3A_123 = vector.load %arg2[%get3A_120, %get3A_121, %get3A_122] : memref<1x375x640xf32, #tpu.memory_space<vmem>>, vector<1x375x640xf32>
    %get3A_124 = vector.shape_cast %get3A_123 : vector<1x375x640xf32> to vector<375x640xf32>
    %jit3A = arith.constant 0.000000e+00 : f32
    %broadcast_in_dim3A_125 = vector.broadcast %jit3A : f32 to vector<375x640xf32>
    %select_n3A = arith.select %or3A_119, %broadcast_in_dim3A_125, %get3A_124 : vector<375x640xi1>, vector<375x640xf32>
    %swap3A = arith.constant 0 : index
    %swap3A_126 = arith.constant 0 : index
    %swap3A_127 = arith.constant 0 : index
    %swap3A_128 = vector.load %arg3[%swap3A, %swap3A_126, %swap3A_127] : memref<1x375x640xf32, #tpu.memory_space<vmem>>, vector<1x375x640xf32>
    %swap3A_129 = vector.shape_cast %swap3A_128 : vector<1x375x640xf32> to vector<375x640xf32>
    %swap3A_130 = vector.shape_cast %select_n3A : vector<375x640xf32> to vector<1x375x640xf32>
    tpu.vector_store %arg3[%swap3A, %swap3A_126, %swap3A_127], %swap3A_130 {strides = array<i32>} : memref<1x375x640xf32, #tpu.memory_space<vmem>>, vector<1x375x640xf32>,
    return
  }
  func.func @transform_0(%arg0: i32) -> (i32, i32) {
    %c0_i32 = arith.constant 0 : i32
    %c0_i32_0 = arith.constant 0 : i32
    %c0_i32_1 = arith.constant 0 : i32
    return %c0_i32, %c0_i32_0 : i32, i32
  }
  func.func @transform_1(%arg0: i32) -> (i32, i32, i32) {
    %c0_i32 = arith.constant 0 : i32
    %c0_i32_0 = arith.constant 0 : i32
    %c0_i32_1 = arith.constant 0 : i32
    return %arg0, %c0_i32, %c0_i32_0 : i32, i32, i32
  }
  func.func @transform_2(%arg0: i32) -> (i32, i32, i32) {
    %c0_i32 = arith.constant 0 : i32
    %c0_i32_0 = arith.constant 0 : i32
    %c0_i32_1 = arith.constant 0 : i32
    return %arg0, %c0_i32, %c0_i32_0 : i32, i32, i32
  }
}

</mosaic_0001>

<sc_bundles>
// kernel: sparse-core-data-format-call.cloned.1.call-start
scs
called_computation_lowered:
.L_overlay_start_0:
0x0: {  	s2 =	sld [smem:$0x3FD9]  }
0x1: {  	s3 =	sld [smem:$0x3FFE];
	_ =	sdelay $0x1  }
0x2: {  	s1 =	srdreg.scid  }
0x3: {  	s0 =	sand.u32 $0x1, s1  }
0x4: {  	s18 =	sshll.u32 s0, $0xA;
	s2 =	sadd.s32 s3, s2  }
0x5: {  	s2 =	sadd.s32 s2, s18  }
0x6: {  	[smem:$0x3FC6] =	sst s2  }
0x7: {  	_ = 	snop  }
0x8: {  	s2 =	sld [smem:$0x3FD0];
	(tm) =	ssettm $0x1  }
0x9: {  	s19 =	sld [smem:$0x3FFB];
	_ =	sdelay $0x3  }
0xa: {  	_ =	strace s19  }
0xb: {  	s3 =	sld [smem:$0x3FFC];
	_ =	sdelay $0x3  }
0xc: {  	_ =	strace s3  }
0xd: {  	s3 =	sld [smem:$0x3FFD];
	_ =	sdelay $0x3  }
0xe: {  	_ =	strace s3  }
0xf: {  	_ =	strace $0x8FFFFFFF  }
0x10: {  	s20 =	sld [smem:$0x3FDB];
	_ =	sdelay $0x1  }
0x11: {  	s4 =	simm.s32 $_scs_section_size  }
0x12: {  	s5 =	simm.s32 $_size__tile_overlayer_lowered;
	s6 =	simm.s32 $_tile_overlayer_lowered  }
0x13: {  	s23 =	simm.s32 $0x1BFF;
	s22 =	sshll.u32 s6, $0x1;
	s3 =	sadd.s32 s4, s20  }
0x14: {  	s7 =	simm.s32 $0x0;
	s21 =	sshll.u32 s5, $0x1;
	s5 =	sadd.s32 s22, s3  }
0x15: {  	[timem:s7], [sflag:s23] =	dma.local [hbm:s5], s21  }
0x16: {  	_ =	swait.ge [sflag:s23], s21  }
0x17: {  	s4 =	ssub.s32 $0x0, s21;
	[sflag:s23] =	ssyncset.done $0x0  }
0x18: {  	[sflag:s23] =	ssyncadd.s32 s4;
	_ =	sdelay $0x1  }
0x19: {  	s24 =	simm.s32 $0x1B8B  }
0x1a: {  	_ =	swait.ge [sflag:s24], $0x1  }
0x1b: {  	[sflag:s24] =	ssyncset.done $0x0  }
0x1c: {  	s26 =	simm.s32 $0x1B8E;
	s25 =	sld [smem:$0x3FFE];
	[sflag:s24] =	ssyncadd.s32 $0xFFFFFFFF  }
0x1d: {  	s27 =	simm.s32 $execute0_lowered;
	[smem:$0x3FD2] =	sst s26  }
0x1e: {  	s5 =	sshll.u32 s27, $0x1;
	_ =	strace $0x80000046;
	[dreg:$0x1] =	wrdreg $0xFFFFFFFF  }
0x1f: {  	s28 =	simm.s32 $_size_execute0_lowered;
	s3 =	sadd.s32 s3, s5;
	[dreg:$0x0] =	wrdreg $0x0  }
0x20: {  	s5 =	sshll.u32 s28, $0x1;
	[dreg:$0x2] =	wrdreg s3  }
0x21: {  	[dreg:$0x3] =	wrdreg s5  }
0x22: {  	[dreg:$0x4] =	wrdreg $0xC0  }
0x23: {  	_ =	task [dreg:s7], $0x5FFFF  }
0x24: {  	[dreg:$0x1] =	wrdreg $0xFFFFFFFF  }
0x25: {  	[dreg:$0x0] =	wrdreg $0x60  }
0x26: {  	[dreg:$0x2] =	wrdreg s25  }
0x27: {  	[dreg:$0x3] =	wrdreg s2  }
0x28: {  	[dreg:$0x4] =	wrdreg $0x9  }
0x29: {  	_ =	task.clear_ibuf [dreg:s7], $0x5FFFF;
	_ =	strace $0x90000046  }
0x2a: {  	s29 =	simm.s32 $0x9;
	_ =	strace $0x80000048  }
0x2b: {  	_ =	swait.ge [sflag:s29], $0x1  }
0x2c: {  	[sflag:s29] =	ssyncadd.s32 $0xFFFFFFFF  }
0x2d: {  	_ =	strace $0x90000048  }
0x2e: {  	_ =	sfence  }
0x2f: {  	s30 =	sld [smem:$0x0];
	_ =	sdelay $0x2  }
0x30: {  	s31 =	sshll.u32 s1, $0xD;
	s1 =	sshrl.u32 s1, $0x2  }
0x31: {  	s3 =	sand.u32 $0x4000, s31;
	s1 =	sadd.s32 s1, s30  }
0x32: {  	s0 =	sor.u32 s3, s0;
	s1 =	sshll.u32 s1, $0x11  }
0x33: {  	s0 =	sor.u32 s1, s0  }
0x34: {  	s0 =	sadd.s32 $0x8F2B, s0  }
0x35: {  	[sflag:s0] =	ssyncadd.remote.s32 $0x1  }
0x36: {  	_ =	sfence.sel $0xFFFF  }
0x37: {  	[dreg:$0x0] =	wrdreg $0xFFFFFFFF;
	(pc) =	sbr.abs _section_cstart, $3  }
0x38: {  	[dreg:$0x1] =	wrdreg $0xFFFFFFFF  }
0x39: {  	_ =	task.clear_ibuf [dreg:s7], $0x2FFFF;
	_ =	strace $0x9FFFFFFF  }
0x3a: {  	(tm) =	ssettm $0x7FFFFFFF  }
0x3b: {  	_ =	shalt  }
tec
execute0_lowered:
.L_overlay_start_1:
0x0: {  	(tag) =	ssettag $0x1  }
0x1: {  	s1 =	rddreg [dreg:$0x0]  }
0x2: {  	_ =	strace $0x80000047;
	s4 =	srdreg.scid;
	s0 =	stileid.u32  }
0x3: {  	s6 =	simm.s32 $0x2;
	s12 =	simm.s32 $0x0;
	s13 =	simm.s32 $0x0  }
.Ltmp0:
0x4: {  	s8 =	simm.s32 $0x0;
	s10 =	simm.s32 $0x0;
	(pc) =	sbr.rel .LBB1_1-.Ltmp0, $4  }
0x5: {  	s9 =	simm.s32 $0x0;
	s7 =	simm.s32 $0x0;
	s5 =	sshll.u32 s4, $0x4  }
0x6: {  	s21 =	simm.s32 $0x0;
	s4 =	simm.s32 $0x1;
	s5 =	sand.u32 $0x10, s5  }
0x7: {  	s3 =	sadd.s32 $0x1D6800, s1;
	[sflag:s4] =	ssyncpa.u1 $0x0;
	s5 =	sor.u32 s0, s5  }
0x8: {  	[sflag:s6] =	ssyncpa.u1 $0x0;
	s6 =	simm.s32 $0x6000;
	s11 =	smov.u32 s5  }
.LBB1_7:
0x9: {  	p0 =	sgt.s32 s8, $0xB80;
	s0 =	smov.u32 s8  }
0xa: {  	s1 =	sshll.u32 s8, $0x3;
	s2 =	sand.u32 $0x7F, s8;
	s0 =	simm.s32 @!p0 $0xB80  }
0xb: {  	s20 =	sand.u32 $0xFFFFFC00, s1;
	s1 =	smulhi.u32 $0xAAAAAAAB, s1;
	s0 =	sadd.s32 s15, s0  }
0xc: {  	s2 =	sor.u32 s2, s20;
	s22 =	sadd.s32 $0xFFFFF480, s0;
	s0 =	ssub.s32 $0xC00, s0  }
0xd: {  	s23 =	smulhi.u32 $0xAAAAAAAB, s2;
	s1 =	sshrl.u32 s1, $0xB;
	p0 =	sgt.s32 s22, $0x7F  }
0xe: {  	s25 =	smulhi.u32 $0x3333334, s1;
	s0 =	simm.s32 @p0 $0x0  }
0xf: {  	s0 =	smul.u32 s0, s14  }
0x10: {  	s24 =	sshrl.u32 s23, $0xB;
	s15 =	smul.u32 $0x50, s25  }
0x11: {  	s14 =	smul.u32 $0xC00, s24  }
0x12: {  	s26 =	smul.u32 $0x7800, s10;
	s27 =	rddreg [dreg:$0x1];
	s1 =	ssub.s32 s1, s15  }
0x13: {  	s30 =	sor.u32 $0x8000, s16;
	s2 =	ssub.s32 s2, s14;
	s1 =	smul.u32 $0x180, s1  }
0x14: {  	s0 =	smul.u32 $0x50, s0;
	s14 =	sadd.s32 s27, s26;
	s28 =	sand.u32 $0x7, s2  }
0x15: {  	s2 =	sshrl.u32 s2, $0x3;
	s29 =	sshll.u32 s28, $0x12;
	s1 =	sadd.s32 s1, s14  }
0x16: {  	s0 =	sand.u32 $0x3FFFFFF0, s0;
	s31 =	sor.u32 $0x400, s29;
	s1 =	sadd.s32 s2, s1  }
0x17: {  	[hbm4b:s1+s31] =	stream.strided.scatter [tilespmem:s30], [sflag:$0x2], s0, s6, s31, $0x20;
	[tilespmem:$0x10100] =	vst v63  }
.LBB1_8:
0x18: {  	p0 =	slt.u32 s7, $0x2  }
0x19: {  	s1 =	smov.u32 s13;
	s2 =	smov.u32 s12;
	p1 =	sgt.s32 @!p0 s13, $0x3F  }
0x1a: {  	s0 =	sshra.s32 @!p0 s13, $0x1F;
	p2 =	sgt.s32 @!p0 s12, $0xB80;
	p1 =	por !p1, p0  }
0x1b: {  	s0 =	sand.u32 @!p0 s0, s13;
	p2 =	por !p2, p0;
	s13 =	sshra.s32 @!p0 s12, $0x1F  }
0x1c: {  	s1 =	simm.s32 @p1 $0x3F;
	s2 =	simm.s32 @p2 $0xB80;
	s12 =	sand.u32 @!p0 s13, s12  }
0x1d: {  	s0 =	ssub.s32 @!p0 s1, s0;
	s1 =	ssub.s32 @!p0 s2, s12  }
0x1e: {  	s2 =	sadd.s32 @!p0 $0xFFFFFFC1, s0;
	s0 =	ssub.s32 @!p0 $0x40, s0;
	s12 =	sadd.s32 @!p0 $0xFFFFF480, s1  }
0x1f: {  	p1 =	sgt.s32 @!p0 s2, $0x0;
	s0 =	smul.u32 @!p0 $0x50, s0;
	p2 =	sgt.s32 @!p0 s12, $0x7F  }
0x20: {  	s1 =	ssub.s32 @!p0 $0xC00, s1;
	p1 =	por !p1, p0;
	p2 =	por !p2, p0  }
0x21: {  	s0 =	simm.s32 @!p1 $0x0;
	s1 =	simm.s32 @!p2 $0x0  }
0x22: {  	s0 =	smul.u32 @!p0 s1, s0;
	s1 =	sadd.s32 $0x80, s9  }
0x23: {  	s14 =	smov.u32 s11;
	s12 =	sadd.s32 $0x20, s11;
	p1 =	sgt.s32 s1, $0xBB7  }
0x24: {  	s14 =	smov.u32 @p1 s12  }
0x25: {  	s7 =	sadd.s32 $0x1, s7;
	s1 =	simm.s32 @p1 $0x0;
	p1 =	sgt.s32 s14, $0x3F  }
0x26: {  	s14 =	smov.u32 @p1 s5;
	p1 =	sne.s32 s7, $0x32  }
.Ltmp1:
0x27: {  	_ = 	snop;
	(pc) =	sbr.rel @!p1 .LBB1_9-.Ltmp1, $4  }
0x28: {  	s13 =	smov.u32 s10;
	s2 =	simm.s32 @!p0 $0x2;
	s0 =	sand.u32 @!p0 $0x3FFFFFF0, s0  }
0x29: {  	s10 =	smov.u32 s11;
	s12 =	smov.u32 s8;
	_ =	swait.ge @!p0 [sflag:s2], s0  }
0x2a: {  	s8 =	smov.u32 s9;
	s0 =	ssub.s32 @!p0 $0x0, s0;
	[sflag:s2] =	ssyncset.done @!p0 $0x0  }
0x2b: {  	s9 =	smov.u32 s1;
	[sflag:s2] =	ssyncadd.s32 @!p0 s0;
	s11 =	smov.u32 s14  }
.LBB1_1:
0x2c: {  	p0 =	sgt.u32 s7, $0x2F;
	s15 =	smov.u32 s11  }
0x2d: {  	s18 =	smov.u32 s9;
	p1 =	sgt.s32 @!p0 s11, $0x3F;
	s14 =	sand.u32 @!p0 $0x1FFFFFF, s9  }
0x2e: {  	s17 =	sshra.s32 @!p0 s11, $0x1F;
	s19 =	sshra.s32 @!p0 s9, $0x1F;
	p1 =	por !p1, p0  }
0x2f: {  	s16 =	smulhi.u32 @!p0 $0x2BB0CF9, s14;
	s15 =	simm.s32 @p1 $0x3F;
	p1 =	sgt.s32 @!p0 s9, $0xB38  }
0x30: {  	s17 =	sand.u32 @!p0 s17, s11;
	s19 =	sand.u32 @!p0 s19, s9;
	p1 =	por !p1, p0  }
0x31: {  	s15 =	ssub.s32 @!p0 s15, s17;
	s16 =	sshrl.u32 @!p0 s16, $0x5;
	s18 =	simm.s32 @p1 $0xB38  }
0x32: {  	s15 =	sadd.s32 @!p0 $0xFFFFFFC1, s15;
	s16 =	smul.u32 @!p0 $0xBB8, s16;
	s17 =	ssub.s32 @!p0 s18, s19  }
0x33: {  	p1 =	sgt.s32 @!p0 s15, $0x0;
	s15 =	sshll.u32 @!p0 s15, $0x7;
	s18 =	sadd.s32 @!p0 $0xFFFFF4C8, s17  }
0x34: {  	s19 =	smul.u32 @!p0 $0xBB80, s11;
	s17 =	ssub.s32 @!p0 $0xBB8, s17;
	p2 =	sgt.s32 @!p0 s18, $0x7F  }
0x35: {  	s15 =	ssub.s32 @!p0 $0x80, s15;
	p1 =	por !p1, p0;
	p2 =	por !p2, p0  }
0x36: {  	s18 =	sxor.u32 @!p0 $0xFFFFFFFF, s7;
	s15 =	simm.s32 @!p1 $0x0;
	s17 =	simm.s32 @!p2 $0x0  }
0x37: {  	s14 =	ssub.s32 @!p0 s14, s16;
	s16 =	sshll.u32 @!p0 s18, $0xE;
	s15 =	smul.u32 @!p0 s17, s15  }
0x38: {  	s14 =	sshll.u32 @!p0 s14, $0x4;
	s16 =	sand.u32 @!p0 $0x4000, s16;
	s17 =	sadd.s32 @!p0 s3, s19  }
0x39: {  	s14 =	sadd.s32 @!p0 s14, s17;
	s17 =	simm.s32 @!p0 $0x0;
	s15 =	sand.u32 @!p0 $0x3FFFFF80, s15  }
0x3a: {  	[tilespmem:s16], [sflag:$0x1] =	stream.linear.gather @!p0 [hbm4b:s14+s17], s15, $0x38;
	[tilespmem:$0x10100] =	vst v63  }
0x3b: {  	p0 =	seq.s32 s7, $0x0  }
0x3c: {  	p1 =	seq.s32 @!p0 s7, $0x31  }
0x3d: {  	p0 =	por p0, p1  }
.Ltmp2:
0x3e: {  	_ = 	snop;
	(pc) =	sbr.rel @p0 .LBB1_8-.Ltmp2, $1  }
0x3f: {  	_ =	sdelay $0x3  }
0x40: {  	p0 =	sgt.s32 s10, $0x3F  }
0x41: {  	s14 =	smov.u32 s10;
	s15 =	sshra.s32 s10, $0x1F;
	s16 =	ssub.s32 $0x0, s8  }
0x42: {  	s17 =	sshra.s32 s8, $0x1F;
	s14 =	simm.s32 @!p0 $0x3F;
	s15 =	sand.u32 s15, s10  }
0x43: {  	s18 =	smov.u32 s8;
	p0 =	sgt.s32 s8, $0xB38;
	s14 =	ssub.s32 s14, s15  }
0x44: {  	s15 =	sand.u32 s16, s17;
	s18 =	simm.s32 @!p0 $0xB38;
	s30 =	sadd.s32 $0xFFFFFFC1, s14  }
0x45: {  	s17 =	sadd.s32 s15, s18;
	s14 =	ssub.s32 $0x40, s14;
	p0 =	sgt.s32 s30, $0x0  }
0x46: {  	s31 =	sadd.s32 $0xFFFFF4C8, s17;
	s16 =	ssub.s32 $0xBB8, s17;
	s17 =	sadd.s32 $0x1, s10  }
0x47: {  	s18 =	sadd.s32 $0x80, s8;
	s14 =	simm.s32 @p0 $0x0;
	p0 =	slt.s32 s17, $0x40  }
0x48: {  	s17 =	simm.s32 @!p0 $0x40;
	p0 =	slt.s32 s18, $0xBB8  }
0x49: {  	p1 =	sgt.s32 s31, $0x7F;
	s17 =	ssub.s32 s17, s10;
	s18 =	simm.s32 @!p0 $0xBB8  }
0x4a: {  	s16 =	simm.s32 @p1 $0x0;
	s18 =	ssub.s32 s18, s8;
	p0 =	slt.s32 s17, $0x1  }
0x4b: {  	s16 =	smul.u32 s16, s14;
	p1 =	slt.s32 @!p0 s18, $0x1  }
0x4c: {  	p1 =	por p0, p1  }
.Ltmp3:
0x4d: {  	s16 =	sshll.u32 s16, $0x7;
	(pc) =	sbr.rel @p1 .LBB1_7-.Ltmp3, $4  }
0x4e: {  	s16 =	sand.u32 $0x3FFFFF80, s16  }
0x4f: {  	_ =	swait.ge [sflag:s4], s16  }
0x50: {  	s19 =	sand.u32 $0x1, s7;
	s16 =	ssub.s32 $0x0, s16;
	[sflag:s4] =	ssyncset.done $0x0  }
0x51: {  	[sflag:s4] =	ssyncadd.s32 s16;
	s16 =	smul.u32 $0x4080, s19  }
0x52: {  	_ = 	snop  }
0x53: {  	s19 =	sshll.u32 @!p0 s19, $0xE;
	s22 =	simm.s32 $0x0;
	s20 =	sor.u32 @!p0 $0x8000, s16  }
.LBB1_4:
0x54: {  	s23 =	sshll.u32 s22, $0x10  }
0x55: {  	s24 =	smul.u32 $0x10200, s22;
	s23 =	sshra.s32 s23, $0x2  }
0x56: {  	s31 =	simm.s32 $0x0;
	s27 =	simm.s32 $0x10;
	s25 =	sadd.s32 s23, s19  }
0x57: {  	p0 =	sne.s32 s18, $0x1;
	s28 =	simm.s32 $0x20;
	s27 =	sand.u32 $0x78, s27;
	v0 =	vmov s25  }
0x58: {  	s26 =	sand.u32 $0x3F80, s21;
	s28 =	sand.u32 $0x78, s28;
	s27 =	smul.u32 $0x204, s27  }
0x59: {  	s30 =	sshra.s32 s24, $0x2;
	s24 =	simm.s32 $0x1;
	s28 =	smul.u32 $0x204, s28  }
0x5a: {  	s23 =	sadd.s32 s30, s20;
	s25 =	sand.u32 $0x78, s31;
	s30 =	simm.s32 $0x30  }
0x5b: {  	s31 =	sand.u32 $0x7F, s21;
	s29 =	sxor.u32 $0x40, s25;
	s25 =	smul.u32 $0x204, s25  }
0x5c: {  	s30 =	sand.u32 $0x78, s30;
	s27 =	sshrl.u32 s27, $0x2;
	s29 =	smul.u32 $0x204, s29;
	v3 =	vld.idx.msk [tilespmem:v0+s26+$0x40 ss:$0x1], $0xffff  }
0x5d: {  	s28 =	sshrl.u32 s28, $0x2;
	s30 =	smul.u32 $0x204, s30;
	s27 =	sadd.s32 s27, s23;
	v4 =	vld.idx.msk [tilespmem:v0+s26+$0x0 ss:$0x1], $0xffff  }
.Ltmp4:
0x5e: {  	s28 =	sadd.s32 s28, s23;
	s29 =	sshrl.u32 s29, $0x2;
	(pc) =	sbr.rel @!p0 .LBB1_6-.Ltmp4, $4  }
0x5f: {  	s25 =	sshrl.u32 s25, $0x2;
	s28 =	sadd.s32 s31, s28;
	s29 =	sadd.s32 s29, s23;
	v1 =	vld.idx.msk [tilespmem:v0+s26+$0x10 ss:$0x1], $0xffff  }
0x60: {  	s25 =	sadd.s32 s25, s23;
	s30 =	sshrl.u32 s30, $0x2;
	s29 =	sadd.s32 s31, s29  }
0x61: {  	s25 =	sadd.s32 s31, s25;
	v2 =	vld.idx.msk [tilespmem:v0+s26+$0x20 ss:$0x1], $0xffff;
	[tilespmem:s29+$0x0 ss:$0x81] =	vst.msk $0xffff, v3;
	s29 =	sadd.s32 s31, s27;
	s27 =	sadd.s32 s30, s23  }
0x62: {  	v3 =	vld.idx.msk [tilespmem:v0+s26+$0x30 ss:$0x1], $0xffff;
	[tilespmem:s25+$0x0 ss:$0x81] =	vst.msk $0xffff, v4;
	s25 =	simm.s32 $0x1808;
	s26 =	simm.s32 $0x0;
	s27 =	sadd.s32 s31, s27  }
.LBB1_5:
0x63: {  	s30 =	sadd.s32 $0xFFFFE800, s25  }
0x64: {  	s31 =	sadd.s32 $0xFFFFF000, s25;
	[tilespmem:s29+$0x0 ss:$0x81] =	vst.msk $0xffff, v1;
	s29 =	smov.u32 s24;
	s24 =	sadd.s32 $0x1, s24  }
0x65: {  	s26 =	sadd.s32 $0x80, s26;
	s0 =	sadd.s32 $0xFFFFF800, s25;
	s1 =	sshrl.u32 s25, $0x7  }
0x66: {  	s30 =	sshrl.u32 s30, $0x7;
	p0 =	sne.s32 s18, s24;
	[tilespmem:s28+$0x0 ss:$0x81] =	vst.msk $0xffff, v2;
	s28 =	sand.u32 $0x3F80, s26  }
0x67: {  	s0 =	sshrl.u32 s0, $0x7;
	s1 =	sand.u32 $0x78, s1;
	s30 =	sand.u32 $0x78, s30;
	[tilespmem:s27+$0x0 ss:$0x81] =	vst.msk $0xffff, v3  }
0x68: {  	s27 =	sshrl.u32 s31, $0x7;
	s1 =	smul.u32 $0x204, s1;
	v4 =	vld.idx.msk [tilespmem:v0+s28+$0x40 ss:$0x1], $0xffff;
	s31 =	sxor.u32 $0x40, s30  }
0x69: {  	s27 =	sand.u32 $0x78, s27;
	v5 =	vld.idx.msk [tilespmem:v0+s28+$0x0 ss:$0x1], $0xffff;
	s31 =	smul.u32 $0x204, s31  }
0x6a: {  	s0 =	sand.u32 $0x78, s0;
	s30 =	smul.u32 $0x204, s30;
	v1 =	vld.idx.msk [tilespmem:v0+s28+$0x10 ss:$0x1], $0xffff  }
0x6b: {  	s27 =	smul.u32 $0x204, s27;
	v2 =	vld.idx.msk [tilespmem:v0+s28+$0x20 ss:$0x1], $0xffff;
	s31 =	sshrl.u32 s31, $0x2  }
0x6c: {  	s2 =	sand.u32 $0x7F, s29;
	s0 =	smul.u32 $0x204, s0;
	v3 =	vld.idx.msk [tilespmem:v0+s28+$0x30 ss:$0x1], $0xffff;
	s28 =	sadd.s32 s31, s23  }
.Ltmp5:
0x6d: {  	s29 =	sshrl.u32 s30, $0x2;
	s28 =	sadd.s32 s2, s28;
	(pc) =	sbr.rel @p0 .LBB1_5-.Ltmp5, $4  }
0x6e: {  	s0 =	sshrl.u32 s0, $0x2;
	s29 =	sadd.s32 s29, s23;
	s27 =	sshrl.u32 s27, $0x2;
	[tilespmem:s28+$0x0 ss:$0x81] =	vst.msk $0xffff, v4  }
0x6f: {  	s1 =	sshrl.u32 s1, $0x2;
	s0 =	sadd.s32 s0, s23;
	s27 =	sadd.s32 s27, s23  }
0x70: {  	s1 =	sadd.s32 s1, s23;
	s28 =	sadd.s32 s2, s29;
	s29 =	sadd.s32 s2, s27  }
0x71: {  	s25 =	sadd.s32 $0x8, s25;
	s27 =	sadd.s32 s2, s1;
	[tilespmem:s28+$0x0 ss:$0x81] =	vst.msk $0xffff, v5;
	s28 =	sadd.s32 s2, s0  }
.LBB1_6:
0x72: {  	s22 =	sadd.s32 $0x1, s22  }
0x73: {  	p0 =	sne.s32 s22, s17  }
.Ltmp6:
0x74: {  	_ = 	snop;
	(pc) =	sbr.rel @p0 .LBB1_4-.Ltmp6, $4  }
.Ltmp7:
0x75: {  	_ = 	snop;
	(pc) =	sbr.rel @!p0 .LBB1_7-.Ltmp7, $4  }
0x76: {  	[tilespmem:s29+$0x0 ss:$0x81] =	vst.msk $0xffff, v1  }
0x77: {  	[tilespmem:s28+$0x0 ss:$0x81] =	vst.msk $0xffff, v2  }
0x78: {  	[tilespmem:s27+$0x0 ss:$0x81] =	vst.msk $0xffff, v3  }
0x79: {  	_ = 	snop  }
.LBB1_9:
0x7a: {  	_ =	sfence.sel $0x180000  }
0x7b: {  	s0 =	simm.s32 $0x1;
	[bflag:$0x0] =	sbarrier.arrive $0xFFFF  }
0x7c: {  	s30 =	simm.s32 $0x2;
	[sflag:s0] =	ssyncpa.u1 $0x1  }
0x7d: {  	[sflag:s30] =	ssyncpa.u1 $0x1  }
0x7e: {  	_ =	strace $0x90000047  }
0x7f: {  	s31 =	stileid.u32;
	[bflag:$0x2] =	sbarrier.arrive $0xFFFF  }
0x80: {  	p0 =	sne.s32 s31, $0x0;
	s0 =	rddreg [dreg:$0x2]  }
0x81: {  	s0 =	sadd.s32 @!p0 $0x100000, s0  }
0x82: {  	[sflag:s0] =	ssyncadd.tile.s32 @!p0 $0x1;
	_ =	shalt  }
.Lfunc_end1:
_tile_overlayer_lowered:
.L_overlay_start_2:
0x83: {  	(tag) =	ssettag $0x2  }
0x84: {  	s0 =	rddreg [dreg:$0x0];
	s2 =	stileid.u32  }
0x85: {  	s1 =	rddreg [dreg:$0x1];
	p0 =	sne.s32 s2, $0x0  }
0x86: {  	s3 =	rddreg [dreg:$0x2];
	[bflag:$0x3] =	sbarrier.arrive $0xFFFF;
	s2 =	simm.s32 @!p0 $0x1C01  }
0x87: {  	[timem:s3], [sflag:s2] =	dma.local @!p0 [hbm:s0], s1  }
0x88: {  	s0 =	simm.s32 @!p0 $0x1  }
0x89: {  	_ =	swait.ge @!p0 [sflag:s0], s1  }
0x8a: {  	s1 =	ssub.s32 @!p0 $0x0, s1;
	[sflag:s0] =	ssyncset.done @!p0 $0x0  }
0x8b: {  	[sflag:s0] =	ssyncadd.s32 @!p0 s1  }
0x8c: {  	[bflag:$0x3] =	sbarrier.arrive $0xFFFF  }
0x8d: {  	_ =	shalt  }

</sc_bundles>
